<compile_context>
chip_gen: v7x
topology: tpu7x:2x2x1
jax: 0.10.2.dev20260603
libtpu: 0.0.44.dev20260713+nightly
codegen_flags: <defaults>
</compile_context>

<pallas_src>
import functools

import jax
import jax.numpy as jnp
from jax import lax
from jax.experimental import pallas as pl
from jax.experimental.pallas import tpu as pltpu
from jax.experimental.pallas import tpu_sc as plsc

N = 100000
E = 1600000
G = 512
C14 = 14
NC, NS, L = 2, 16, 16

CH = 768
N_CHUNK = 132
EPT = CH * N_CHUNK
E_PAD = EPT * NS

DEG_CH = 768
DEG_CHUNKS = 66

ACC_DUMMY = 128
ACC_ROWS = N + ACC_DUMMY
N_PAD = 100096
RPT = N_PAD // NS

_mesh = plsc.VectorSubcoreMesh(
    core_axis_name="c", subcore_axis_name="s", num_cores=NC, num_subcores=NS)
_sc_params = pltpu.CompilerParams(use_tc_tiling_on_sc=False)

f32 = jnp.float32
i32 = jnp.int32



def _deg_kernel(dst1d, ones_hbm, zeros_hbm, deg_all, acc, idxv, onev, sem):
    del sem
    c = lax.axis_index("c")
    t = lax.axis_index("s")
    pltpu.sync_copy(ones_hbm, onev)
    pltpu.sync_copy(zeros_hbm, acc.at[pl.ds(t * RPT, RPT)])
    plsc.subcore_barrier()
    e0 = c * (E_PAD // 2) + t * (DEG_CHUNKS * DEG_CH)

    def chunk(i, carry):
        eo = e0 + i * DEG_CH
        pltpu.sync_copy(dst1d.at[pl.ds(eo, DEG_CH)], idxv)
        pltpu.sync_copy(onev, acc.at[idxv], add=True)
        return carry

    lax.fori_loop(0, DEG_CHUNKS, chunk, 0)
    plsc.subcore_barrier()
    pltpu.sync_copy(acc.at[pl.ds(t * RPT, RPT)],
                    deg_all.at[c].at[pl.ds(t * RPT, RPT)])


def _sc_deg(dst1d, ones_c, zeros_c):
    return pl.kernel(
        _deg_kernel,
        out_type=jax.ShapeDtypeStruct((NC, N_PAD, L), f32),
        mesh=_mesh,
        compiler_params=_sc_params,
        scratch_types=[
            pltpu.VMEM_SHARED((ACC_ROWS, L), f32),
            pltpu.VMEM((DEG_CH,), i32),
            pltpu.VMEM((DEG_CH, L), f32),
            pltpu.SemaphoreType.DMA,
        ],
    )(dst1d, ones_c, zeros_c)


def _agg_kernel(nsl, src1d, dst1d, u_all, z_all,
                acc, srcv, dstv, rows, srcv2, dstv2, rows2, sem, sem2):
    c = lax.axis_index("c")
    t = lax.axis_index("s")
    spc = nsl // NC

    def slice_body(si, carry):
        s = c * spc + si
        u_s = u_all.at[s]
        pltpu.sync_copy(u_s.at[pl.ds(t * RPT, RPT)],
                        acc.at[pl.ds(t * RPT, RPT)])
        plsc.subcore_barrier()
        e0 = t * EPT

        def chunk2(i, carry2):
            eo = e0 + (2 * i) * CH
            pltpu.sync_copy(src1d.at[pl.ds(eo, CH)], srcv)
            pltpu.sync_copy(dst1d.at[pl.ds(eo, CH)], dstv)
            ga = pltpu.async_copy(u_s.at[srcv], rows, sem)
            pltpu.sync_copy(src1d.at[pl.ds(eo + CH, CH)], srcv2)
            pltpu.sync_copy(dst1d.at[pl.ds(eo + CH, CH)], dstv2)
            ga.wait()
            gb = pltpu.async_copy(u_s.at[srcv2], rows2, sem)
            sa = pltpu.async_copy(rows, acc.at[dstv], sem2, add=True)
            gb.wait()
            sb = pltpu.async_copy(rows2, acc.at[dstv2], sem2, add=True)
            sa.wait()
            sb.wait()
            return carry2

        lax.fori_loop(0, N_CHUNK // 2, chunk2, 0)
        plsc.subcore_barrier()
        pltpu.sync_copy(acc.at[pl.ds(t * RPT, RPT)],
                        z_all.at[s].at[pl.ds(t * RPT, RPT)])
        return carry

    lax.fori_loop(0, spc, slice_body, 0)


def _sc_agg(src1d, dst1d, u_all):
    nsl = u_all.shape[0]
    return pl.kernel(
        functools.partial(_agg_kernel, nsl),
        out_type=jax.ShapeDtypeStruct((nsl, N_PAD, L), f32),
        mesh=_mesh,
        compiler_params=_sc_params,
        scratch_types=[
            pltpu.VMEM_SHARED((ACC_ROWS, L), f32),
            pltpu.VMEM((CH,), i32),
            pltpu.VMEM((CH,), i32),
            pltpu.VMEM((CH, L), f32),
            pltpu.VMEM((CH,), i32),
            pltpu.VMEM((CH,), i32),
            pltpu.VMEM((CH, L), f32),
            pltpu.SemaphoreType.DMA,
            pltpu.SemaphoreType.DMA,
        ],
    )(src1d, dst1d, u_all)



_R = 3128
_NB = N_PAD // _R


def _prep_body(x_ref, d_ref, u_ref, dinv_ref):
    deg = d_ref[0][:, 0:1] + d_ref[1][:, 0:1] + 1.0
    dinv = lax.rsqrt(deg)
    u = x_ref[...] * dinv
    u_ref[0] = u[:, 0:16]
    u_ref[1] = jnp.concatenate(
        [u[:, 16:20], jnp.zeros((_R, 12), f32)], axis=1)
    dinv_ref[...] = dinv


def _tc_prep(x, deg_all):
    bs = lambda w: pl.BlockSpec((_R, w), lambda i: (i, 0))
    return pl.pallas_call(
        _prep_body,
        grid=(_NB,),
        in_specs=[bs(20), pl.BlockSpec((NC, _R, L), lambda i: (0, i, 0))],
        out_specs=[pl.BlockSpec((2, _R, L), lambda i: (0, i, 0)), bs(1)],
        out_shape=[
            jax.ShapeDtypeStruct((2, N_PAD, L), f32),
            jax.ShapeDtypeStruct((N_PAD, 1), f32),
        ],
    )(x, deg_all)


def _mm_body(nin, nout, w_ref, b_ref, dinv_ref, z_ref, u_ref):
    z = jnp.concatenate([z_ref[k] for k in range(nin)], axis=1)
    dinv = dinv_ref[...]
    t = jnp.dot(z * dinv, w_ref[...], preferred_element_type=f32) + b_ref[...]
    u = jnp.maximum(t, 0.0) * dinv
    for k in range(nout):
        u_ref[k] = u[:, L * k:L * (k + 1)]


def _tc_mm(z_all, dinv, w, b):
    nin = z_all.shape[0]
    nout = w.shape[1] // L
    full = lambda a, b_: pl.BlockSpec((a, b_), lambda i: (0, 0))
    return pl.pallas_call(
        functools.partial(_mm_body, nin, nout),
        grid=(_NB,),
        in_specs=[full(nin * L, w.shape[1]), full(1, w.shape[1]),
                  pl.BlockSpec((_R, 1), lambda i: (i, 0)),
                  pl.BlockSpec((nin, _R, L), lambda i: (0, i, 0))],
        out_specs=pl.BlockSpec((nout, _R, L), lambda i: (0, i, 0)),
        out_shape=jax.ShapeDtypeStruct((nout, N_PAD, L), f32),
    )(w, b, dinv, z_all)


def _final_body(batch_ref, dinv_ref, w3_ref, b3_ref, wl_ref, bl_ref,
                z_ref, out_ref, accp, accc):
    i = pl.program_id(0)

    @pl.when(i == 0)
    def _():
        accp[...] = jnp.zeros((G, 64), f32)
        accc[...] = jnp.zeros((G, 1), f32)

    z = jnp.concatenate([z_ref[k] for k in range(4)], axis=1)
    y = z * dinv_ref[...]
    b = batch_ref[...]
    iota = lax.broadcasted_iota(i32, (_R, G), 1)
    row = lax.broadcasted_iota(i32, (_R, 1), 0) + i * _R
    p = ((b == iota) & (row < N)).astype(f32)
    accp[...] += lax.dot_general(p, y, (((0,), (0,)), ((), ())),
                                 preferred_element_type=f32)
    accc[...] += lax.dot_general(p, jnp.ones((_R, 1), f32),
                                 (((0,), (0,)), ((), ())),
                                 preferred_element_type=f32)

    @pl.when(i == _NB - 1)
    def _():
        cnt = accc[...]
        pooled = accp[...] / jnp.maximum(cnt, 1.0)
        nonempty = (cnt > 0.0).astype(f32)
        h3 = jnp.dot(pooled, w3_ref[...], preferred_element_type=f32) \
            + b3_ref[...] * nonempty
        logits = jnp.dot(h3, wl_ref[...], preferred_element_type=f32) \
            + bl_ref[...]
        m = jnp.max(logits, axis=1, keepdims=True)
        lse = m + jnp.log(jnp.sum(jnp.exp(logits - m), axis=1, keepdims=True))
        out_ref[...] = logits - lse


def _tc_final(batch2d, dinv, w3, b3, wl, bl, z_all):
    bs = lambda w_: pl.BlockSpec((_R, w_), lambda i: (i, 0))
    full = lambda a, b_: pl.BlockSpec((a, b_), lambda i: (0, 0))
    return pl.pallas_call(
        _final_body,
        grid=(_NB,),
        in_specs=[bs(1), bs(1), full(64, 128), full(1, 128), full(128, C14),
                  full(1, C14),
                  pl.BlockSpec((4, _R, L), lambda i: (0, i, 0))],
        out_specs=full(G, C14),
        out_shape=jax.ShapeDtypeStruct((G, C14), f32),
        scratch_shapes=[pltpu.VMEM((G, 64), f32), pltpu.VMEM((G, 1), f32)],
    )(batch2d, dinv, w3, b3, wl, bl, z_all)



def kernel(x, edge_index, batch, W1, b1, W2, b2, W3, b3, Wl, bl):
    src = edge_index[0].astype(i32)
    dst = edge_index[1].astype(i32)
    pad = E_PAD - E
    src_p = jnp.concatenate([src, jnp.zeros((pad,), i32)])
    dst_p = jnp.concatenate(
        [dst, N + (jnp.arange(pad, dtype=i32) % ACC_DUMMY)])

    ones_c = jnp.ones((DEG_CH, L), f32)
    zeros_c = jnp.zeros((RPT, L), f32)

    deg_all = _sc_deg(dst_p, ones_c, zeros_c)
    u1, dinv = _tc_prep(x, deg_all)

    z1 = _sc_agg(src_p, dst_p, u1)
    W1p = jnp.concatenate([W1, jnp.zeros((12, 64), f32)], axis=0)
    u2 = _tc_mm(z1, dinv, W1p, b1.reshape(1, 64))

    z2 = _sc_agg(src_p, dst_p, u2)
    u3 = _tc_mm(z2, dinv, W2, b2.reshape(1, 64))

    z3 = _sc_agg(src_p, dst_p, u3)
    return _tc_final(batch.reshape(N, 1), dinv, W3, b3.reshape(1, 128),
                     Wl, bl.reshape(1, C14), z3)

# --- scband reference (transcript-rebuilt; emitter-appended) ---
"""Pipeline reference for scband-gcn-16441134809864 (READ-ONLY COPY).

The authoritative reference and input builder live on the scoring server;
editing this copy changes nothing except your own understanding.
"""

import jax, jax.numpy as jnp
import numpy as np

N_NODES = 100000
N_EDGES = 1600000
NUM_GRAPHS = 512


def setup_inputs(seed: int = 0) -> dict:
    key = jax.random.key(seed)
    ks = jax.random.split(key, 12)
    x = jax.random.normal(ks[0], (N_NODES, 20), dtype=jnp.float32)
    edge_index = jax.random.randint(ks[1], (2, N_EDGES), 0, N_NODES, dtype=jnp.int32)
    batch = jnp.sort(jax.random.randint(ks[2], (N_NODES,), 0, NUM_GRAPHS, dtype=jnp.int32))
    W1 = jax.random.normal(ks[3], (20, 64), dtype=jnp.float32) * 0.1
    b1 = jnp.zeros((64,), dtype=jnp.float32)
    W2 = jax.random.normal(ks[4], (64, 64), dtype=jnp.float32) * 0.1
    b2 = jnp.zeros((64,), dtype=jnp.float32)
    W3 = jax.random.normal(ks[5], (64, 128), dtype=jnp.float32) * 0.1
    b3 = jnp.zeros((128,), dtype=jnp.float32)
    Wl = jax.random.normal(ks[6], (128, 14), dtype=jnp.float32) * 0.1
    bl = jnp.zeros((14,), dtype=jnp.float32)
    return {"x": x, "edge_index": edge_index, "batch": batch,
            "W1": W1, "b1": b1, "W2": W2, "b2": b2, "W3": W3, "b3": b3,
            "Wl": Wl, "bl": bl}


def reference(x, edge_index, batch, W1, b1, W2, b2, W3, b3, Wl, bl):
    n = x.shape[0]
    loop = jnp.arange(n, dtype=edge_index.dtype)
    src = jnp.concatenate([edge_index[0], loop])
    dst = jnp.concatenate([edge_index[1], loop])
    ones = jnp.ones(src.shape, dtype=x.dtype)
    deg = jax.ops.segment_sum(ones, dst, num_segments=n)
    dinv = jnp.where(deg > 0, 1.0 / jnp.sqrt(deg), 0.0)
    norm = dinv[src] * dinv[dst]

    def conv(h, W, b):
        h = h @ W
        m = jnp.take(h, src, axis=0) * norm[:, None]
        return jax.ops.segment_sum(m, dst, num_segments=n) + b

    h = jax.nn.relu(conv(x, W1, b1))
    h = jax.nn.relu(conv(h, W2, b2))
    h = conv(h, W3, b3)
    # global_mean_pool over graph ids
    s = jax.ops.segment_sum(h, batch, num_segments=NUM_GRAPHS)
    cnt = jax.ops.segment_sum(jnp.ones((n,), dtype=h.dtype), batch, num_segments=NUM_GRAPHS)
    pooled = s / jnp.maximum(cnt, 1.0)[:, None]
    # dropout is identity in eval mode
    logits = pooled @ Wl + bl
    return jax.nn.log_softmax(logits, axis=-1)

if __name__ == "__main__":
    import jax
    _d = setup_inputs()
    print(jax.jit(kernel)(*tuple(_d.values())))

</pallas_src>

<mosaic_0001>
#map = affine_map<(d0, d1) -> (0)>
#map1 = affine_map<(d0, d1) -> (0, 0, 0)>
module attributes {stable_mosaic.version = 14 : i64} {
  func.func @_agg_kernel(%arg0: i32, %arg1: i32, %arg2: memref<1622016xi32, #tpu.memory_space<hbm>>, %arg3: memref<1622016xi32, #tpu.memory_space<hbm>>, %arg4: memref<4x100096x16xf32, #tpu.memory_space<hbm>>, %arg5: memref<4x100096x16xf32, #tpu.memory_space<hbm>>, %arg6: memref<100128x16xf32, #tpu.memory_space<vmem_shared>>, %arg7: memref<768xi32, #tpu.memory_space<vmem>>, %arg8: memref<768xi32, #tpu.memory_space<vmem>>, %arg9: memref<768x16xf32, #tpu.memory_space<vmem>>, %arg10: memref<768xi32, #tpu.memory_space<vmem>>, %arg11: memref<768xi32, #tpu.memory_space<vmem>>, %arg12: memref<768x16xf32, #tpu.memory_space<vmem>>, %arg13: memref<!tpu.dma_semaphore, #tpu.memory_space<semaphore_mem>>, %arg14: memref<!tpu.dma_semaphore, #tpu.memory_space<semaphore_mem>>) attributes {dimension_semantics = [#tpu.dimension_semantics<core_parallel>, #tpu.dimension_semantics<subcore_parallel>], iteration_bounds = array<i64: 2, 16>, scalar_prefetch = 0 : i64, scratch_operands = 9 : i64, tpu.core_type = #tpu.core_type<sc_vector_subcore>, window_params = [{transform_indices = #map}, {transform_indices = #map}, {transform_indices = #map1}, {transform_indices = #map1}]} {
    %scan3A = arith.constant 0 : i32
    %scan3A_0 = arith.constant 0 : i32
    %scan3A_1 = arith.constant 2 : i32
    %scan3A_2 = arith.addi %scan3A_0, %scan3A_1 : i32
    %scan3A_3 = arith.constant 1 : i32
    scf.for %scan3A_5 = %scan3A_0 to %scan3A_2 step %scan3A_3  : i32 {
      %mul3A = arith.constant 2 : i32
      %mul3A_6 = arith.muli %arg0, %mul3A : i32
      %add3A = arith.addi %mul3A_6, %scan3A_5 : i32
      %mul3A_7 = arith.constant 6256 : i32
      %mul3A_8 = arith.muli %arg1, %mul3A_7 : i32
      %mul3A_9 = arith.constant 6256 : i32
      %mul3A_10 = arith.muli %arg1, %mul3A_9 : i32
      "tpu.region"() ({
        %run_scoped3A = tpu.sem_alloc : memref<!tpu.dma_semaphore, #tpu.memory_space<semaphore_mem>>
        %dma_start3A = arith.constant 0 : i32
        %dma_start3A_24 = tpu.memref_slice %arg6[%mul3A_10, %dma_start3A] : memref<100128x16xf32, #tpu.memory_space<vmem_shared>> -> memref<6256x16xf32, #tpu.memory_space<vmem_shared>>
        %dma_start3A_25 = arith.constant 0 : i32
        %dma_start3A_26 = arith.constant 0 : i32
        %dma_start3A_27 = tpu.memref_slice %arg4[%add3A, %dma_start3A_25, %dma_start3A_26] : memref<4x100096x16xf32, #tpu.memory_space<hbm>> -> memref<1x100096x16xf32, #tpu.memory_space<hbm>>
        %dma_start3A_28 = tpu.memref_squeeze %dma_start3A_27 : memref<1x100096x16xf32, #tpu.memory_space<hbm>> -> memref<100096x16xf32, #tpu.memory_space<hbm>>
        %dma_start3A_29 = arith.constant 0 : i32
        %dma_start3A_30 = tpu.memref_slice %dma_start3A_28[%mul3A_8, %dma_start3A_29] : memref<100096x16xf32, #tpu.memory_space<hbm>> -> memref<6256x16xf32, #tpu.memory_space<hbm>>
        tpu.enqueue_dma source(%dma_start3A_30 : memref<6256x16xf32, #tpu.memory_space<hbm>>) target(%dma_start3A_24 : memref<6256x16xf32, #tpu.memory_space<vmem_shared>>) target_semaphore(%run_scoped3A : memref<!tpu.dma_semaphore, #tpu.memory_space<semaphore_mem>>)
        %dma_wait3A = arith.constant 0 : i32
        %dma_wait3A_31 = tpu.memref_slice %arg6[%mul3A_10, %dma_wait3A] : memref<100128x16xf32, #tpu.memory_space<vmem_shared>> -> memref<6256x16xf32, #tpu.memory_space<vmem_shared>>
        %dma_wait3A_32 = arith.constant 0 : i32
        %dma_wait3A_33 = arith.constant 0 : i32
        %dma_wait3A_34 = tpu.memref_slice %arg4[%add3A, %dma_wait3A_32, %dma_wait3A_33] : memref<4x100096x16xf32, #tpu.memory_space<hbm>> -> memref<1x100096x16xf32, #tpu.memory_space<hbm>>
        %dma_wait3A_35 = tpu.memref_squeeze %dma_wait3A_34 : memref<1x100096x16xf32, #tpu.memory_space<hbm>> -> memref<100096x16xf32, #tpu.memory_space<hbm>>
        %dma_wait3A_36 = arith.constant 0 : i32
        %dma_wait3A_37 = tpu.memref_slice %dma_wait3A_35[%mul3A_8, %dma_wait3A_36] : memref<100096x16xf32, #tpu.memory_space<hbm>> -> memref<6256x16xf32, #tpu.memory_space<hbm>>
        tpu.wait_dma2 semaphore(%run_scoped3A : memref<!tpu.dma_semaphore, #tpu.memory_space<semaphore_mem>>) src(%dma_wait3A_37 : memref<6256x16xf32, #tpu.memory_space<hbm>>) dst(%dma_wait3A_31 : memref<6256x16xf32, #tpu.memory_space<vmem_shared>>)
        tpu.yield
      }) : () -> ()
      %barrier3A = arith.constant 0 : index
      tpu.barrier barrier_id(%barrier3A)
      %mul3A_11 = arith.constant 101376 : i32
      %mul3A_12 = arith.muli %arg1, %mul3A_11 : i32
      %scan3A_13 = arith.constant 0 : i32
      %scan3A_14 = arith.constant 0 : i32
      %scan3A_15 = arith.constant 66 : i32
      %scan3A_16 = arith.addi %scan3A_14, %scan3A_15 : i32
      %scan3A_17 = arith.constant 1 : i32
      scf.for %scan3A_24 = %scan3A_14 to %scan3A_16 step %scan3A_17  : i32 {
        %mul3A_25 = arith.constant 2 : i32
        %mul3A_26 = arith.muli %mul3A_25, %scan3A_24 : i32
        %mul3A_27 = arith.constant 768 : i32
        %mul3A_28 = arith.muli %mul3A_26, %mul3A_27 : i32
        %add3A_29 = arith.addi %mul3A_12, %mul3A_28 : i32
        "tpu.region"() ({
          %run_scoped3A = tpu.sem_alloc : memref<!tpu.dma_semaphore, #tpu.memory_space<semaphore_mem>>
          %dma_start3A_72 = tpu.memref_slice %arg2[%add3A_29] : memref<1622016xi32, #tpu.memory_space<hbm>> -> memref<768xi32, #tpu.memory_space<hbm>>
          %dma_start3A_73 = tpu.memref_slice %arg2[%add3A_29] : memref<1622016xi32, #tpu.memory_space<hbm>> -> memref<768xi32, #tpu.memory_space<hbm>>
          tpu.enqueue_dma source(%dma_start3A_73 : memref<768xi32, #tpu.memory_space<hbm>>) target(%arg7 : memref<768xi32, #tpu.memory_space<vmem>>) target_semaphore(%run_scoped3A : memref<!tpu.dma_semaphore, #tpu.memory_space<semaphore_mem>>)
          %dma_wait3A_74 = tpu.memref_slice %arg2[%add3A_29] : memref<1622016xi32, #tpu.memory_space<hbm>> -> memref<768xi32, #tpu.memory_space<hbm>>
          %dma_wait3A_75 = tpu.memref_slice %arg2[%add3A_29] : memref<1622016xi32, #tpu.memory_space<hbm>> -> memref<768xi32, #tpu.memory_space<hbm>>
          tpu.wait_dma2 semaphore(%run_scoped3A : memref<!tpu.dma_semaphore, #tpu.memory_space<semaphore_mem>>) src(%dma_wait3A_75 : memref<768xi32, #tpu.memory_space<hbm>>) dst(%arg7 : memref<768xi32, #tpu.memory_space<vmem>>)
          tpu.yield
        }) : () -> ()
        "tpu.region"() ({
          %run_scoped3A = tpu.sem_alloc : memref<!tpu.dma_semaphore, #tpu.memory_space<semaphore_mem>>
          %dma_start3A_72 = tpu.memref_slice %arg3[%add3A_29] : memref<1622016xi32, #tpu.memory_space<hbm>> -> memref<768xi32, #tpu.memory_space<hbm>>
          %dma_start3A_73 = tpu.memref_slice %arg3[%add3A_29] : memref<1622016xi32, #tpu.memory_space<hbm>> -> memref<768xi32, #tpu.memory_space<hbm>>
          tpu.enqueue_dma source(%dma_start3A_73 : memref<768xi32, #tpu.memory_space<hbm>>) target(%arg8 : memref<768xi32, #tpu.memory_space<vmem>>) target_semaphore(%run_scoped3A : memref<!tpu.dma_semaphore, #tpu.memory_space<semaphore_mem>>)
          %dma_wait3A_74 = tpu.memref_slice %arg3[%add3A_29] : memref<1622016xi32, #tpu.memory_space<hbm>> -> memref<768xi32, #tpu.memory_space<hbm>>
          %dma_wait3A_75 = tpu.memref_slice %arg3[%add3A_29] : memref<1622016xi32, #tpu.memory_space<hbm>> -> memref<768xi32, #tpu.memory_space<hbm>>
          tpu.wait_dma2 semaphore(%run_scoped3A : memref<!tpu.dma_semaphore, #tpu.memory_space<semaphore_mem>>) src(%dma_wait3A_75 : memref<768xi32, #tpu.memory_space<hbm>>) dst(%arg8 : memref<768xi32, #tpu.memory_space<vmem>>)
          tpu.yield
        }) : () -> ()
        %dma_start3A = arith.constant 0 : i32
        %dma_start3A_30 = arith.constant 0 : i32
        %dma_start3A_31 = tpu.memref_slice %arg4[%add3A, %dma_start3A, %dma_start3A_30] : memref<4x100096x16xf32, #tpu.memory_space<hbm>> -> memref<1x100096x16xf32, #tpu.memory_space<hbm>>
        %dma_start3A_32 = tpu.memref_squeeze %dma_start3A_31 : memref<1x100096x16xf32, #tpu.memory_space<hbm>> -> memref<100096x16xf32, #tpu.memory_space<hbm>>
        %dma_start3A_33 = arith.constant 0 : i32
        %dma_start3A_34 = arith.constant 0 : i32
        %dma_start3A_35 = tpu.memref_slice %dma_start3A_32[%dma_start3A_33, %dma_start3A_34] : memref<100096x16xf32, #tpu.memory_space<hbm>> -> memref<100096x16xf32, #tpu.memory_space<hbm>>
        tpu.enqueue_indirect_dma source(%dma_start3A_35 : memref<100096x16xf32, #tpu.memory_space<hbm>>) target(%arg9 : memref<768x16xf32, #tpu.memory_space<vmem>>) offsets(%arg7 : memref<768xi32, #tpu.memory_space<vmem>>) semaphore(%arg13 : memref<!tpu.dma_semaphore, #tpu.memory_space<semaphore_mem>>)
        %add3A_36 = arith.constant 768 : i32
        %add3A_37 = arith.addi %add3A_29, %add3A_36 : i32
        "tpu.region"() ({
          %run_scoped3A = tpu.sem_alloc : memref<!tpu.dma_semaphore, #tpu.memory_space<semaphore_mem>>
          %dma_start3A_72 = tpu.memref_slice %arg2[%add3A_37] : memref<1622016xi32, #tpu.memory_space<hbm>> -> memref<768xi32, #tpu.memory_space<hbm>>
          %dma_start3A_73 = tpu.memref_slice %arg2[%add3A_37] : memref<1622016xi32, #tpu.memory_space<hbm>> -> memref<768xi32, #tpu.memory_space<hbm>>
          tpu.enqueue_dma source(%dma_start3A_73 : memref<768xi32, #tpu.memory_space<hbm>>) target(%arg10 : memref<768xi32, #tpu.memory_space<vmem>>) target_semaphore(%run_scoped3A : memref<!tpu.dma_semaphore, #tpu.memory_space<semaphore_mem>>)
          %dma_wait3A_74 = tpu.memref_slice %arg2[%add3A_37] : memref<1622016xi32, #tpu.memory_space<hbm>> -> memref<768xi32, #tpu.memory_space<hbm>>
          %dma_wait3A_75 = tpu.memref_slice %arg2[%add3A_37] : memref<1622016xi32, #tpu.memory_space<hbm>> -> memref<768xi32, #tpu.memory_space<hbm>>
          tpu.wait_dma2 semaphore(%run_scoped3A : memref<!tpu.dma_semaphore, #tpu.memory_space<semaphore_mem>>) src(%dma_wait3A_75 : memref<768xi32, #tpu.memory_space<hbm>>) dst(%arg10 : memref<768xi32, #tpu.memory_space<vmem>>)
          tpu.yield
        }) : () -> ()
        %add3A_38 = arith.constant 768 : i32
        %add3A_39 = arith.addi %add3A_29, %add3A_38 : i32
        "tpu.region"() ({
          %run_scoped3A = tpu.sem_alloc : memref<!tpu.dma_semaphore, #tpu.memory_space<semaphore_mem>>
          %dma_start3A_72 = tpu.memref_slice %arg3[%add3A_39] : memref<1622016xi32, #tpu.memory_space<hbm>> -> memref<768xi32, #tpu.memory_space<hbm>>
          %dma_start3A_73 = tpu.memref_slice %arg3[%add3A_39] : memref<1622016xi32, #tpu.memory_space<hbm>> -> memref<768xi32, #tpu.memory_space<hbm>>
          tpu.enqueue_dma source(%dma_start3A_73 : memref<768xi32, #tpu.memory_space<hbm>>) target(%arg11 : memref<768xi32, #tpu.memory_space<vmem>>) target_semaphore(%run_scoped3A : memref<!tpu.dma_semaphore, #tpu.memory_space<semaphore_mem>>)
          %dma_wait3A_74 = tpu.memref_slice %arg3[%add3A_39] : memref<1622016xi32, #tpu.memory_space<hbm>> -> memref<768xi32, #tpu.memory_space<hbm>>
          %dma_wait3A_75 = tpu.memref_slice %arg3[%add3A_39] : memref<1622016xi32, #tpu.memory_space<hbm>> -> memref<768xi32, #tpu.memory_space<hbm>>
          tpu.wait_dma2 semaphore(%run_scoped3A : memref<!tpu.dma_semaphore, #tpu.memory_space<semaphore_mem>>) src(%dma_wait3A_75 : memref<768xi32, #tpu.memory_space<hbm>>) dst(%arg11 : memref<768xi32, #tpu.memory_space<vmem>>)
          tpu.yield
        }) : () -> ()
        %dma_wait3A = arith.constant 0 : i32
        %dma_wait3A_40 = arith.constant 0 : i32
        %dma_wait3A_41 = tpu.memref_slice %arg4[%add3A, %dma_wait3A, %dma_wait3A_40] : memref<4x100096x16xf32, #tpu.memory_space<hbm>> -> memref<1x100096x16xf32, #tpu.memory_space<hbm>>
        %dma_wait3A_42 = tpu.memref_squeeze %dma_wait3A_41 : memref<1x100096x16xf32, #tpu.memory_space<hbm>> -> memref<100096x16xf32, #tpu.memory_space<hbm>>
        %dma_wait3A_43 = arith.constant 0 : i32
        %dma_wait3A_44 = arith.constant 0 : i32
        %dma_wait3A_45 = tpu.memref_slice %dma_wait3A_42[%dma_wait3A_43, %dma_wait3A_44] : memref<100096x16xf32, #tpu.memory_space<hbm>> -> memref<100096x16xf32, #tpu.memory_space<hbm>>
        tpu.wait_indirect_dma semaphore(%arg13 : memref<!tpu.dma_semaphore, #tpu.memory_space<semaphore_mem>>) src(%dma_wait3A_45 : memref<100096x16xf32, #tpu.memory_space<hbm>>) dst(%arg9 : memref<768x16xf32, #tpu.memory_space<vmem>>)
        %dma_start3A_46 = arith.constant 0 : i32
        %dma_start3A_47 = arith.constant 0 : i32
        %dma_start3A_48 = tpu.memref_slice %arg4[%add3A, %dma_start3A_46, %dma_start3A_47] : memref<4x100096x16xf32, #tpu.memory_space<hbm>> -> memref<1x100096x16xf32, #tpu.memory_space<hbm>>
        %dma_start3A_49 = tpu.memref_squeeze %dma_start3A_48 : memref<1x100096x16xf32, #tpu.memory_space<hbm>> -> memref<100096x16xf32, #tpu.memory_space<hbm>>
        %dma_start3A_50 = arith.constant 0 : i32
        %dma_start3A_51 = arith.constant 0 : i32
        %dma_start3A_52 = tpu.memref_slice %dma_start3A_49[%dma_start3A_50, %dma_start3A_51] : memref<100096x16xf32, #tpu.memory_space<hbm>> -> memref<100096x16xf32, #tpu.memory_space<hbm>>
        tpu.enqueue_indirect_dma source(%dma_start3A_52 : memref<100096x16xf32, #tpu.memory_space<hbm>>) target(%arg12 : memref<768x16xf32, #tpu.memory_space<vmem>>) offsets(%arg10 : memref<768xi32, #tpu.memory_space<vmem>>) semaphore(%arg13 : memref<!tpu.dma_semaphore, #tpu.memory_space<semaphore_mem>>)
        %dma_start3A_53 = arith.constant 0 : i32
        %dma_start3A_54 = arith.constant 0 : i32
        %dma_start3A_55 = tpu.memref_slice %arg6[%dma_start3A_53, %dma_start3A_54] : memref<100128x16xf32, #tpu.memory_space<vmem_shared>> -> memref<100128x16xf32, #tpu.memory_space<vmem_shared>>
        tpu.enqueue_indirect_dma source(%arg9 : memref<768x16xf32, #tpu.memory_space<vmem>>) target(%dma_start3A_55 : memref<100128x16xf32, #tpu.memory_space<vmem_shared>>) offsets(%arg8 : memref<768xi32, #tpu.memory_space<vmem>>) semaphore(%arg14 : memref<!tpu.dma_semaphore, #tpu.memory_space<semaphore_mem>>) {add = true}
        %dma_wait3A_56 = arith.constant 0 : i32
        %dma_wait3A_57 = arith.constant 0 : i32
        %dma_wait3A_58 = tpu.memref_slice %arg4[%add3A, %dma_wait3A_56, %dma_wait3A_57] : memref<4x100096x16xf32, #tpu.memory_space<hbm>> -> memref<1x100096x16xf32, #tpu.memory_space<hbm>>
        %dma_wait3A_59 = tpu.memref_squeeze %dma_wait3A_58 : memref<1x100096x16xf32, #tpu.memory_space<hbm>> -> memref<100096x16xf32, #tpu.memory_space<hbm>>
        %dma_wait3A_60 = arith.constant 0 : i32
        %dma_wait3A_61 = arith.constant 0 : i32
        %dma_wait3A_62 = tpu.memref_slice %dma_wait3A_59[%dma_wait3A_60, %dma_wait3A_61] : memref<100096x16xf32, #tpu.memory_space<hbm>> -> memref<100096x16xf32, #tpu.memory_space<hbm>>
        tpu.wait_indirect_dma semaphore(%arg13 : memref<!tpu.dma_semaphore, #tpu.memory_space<semaphore_mem>>) src(%dma_wait3A_62 : memref<100096x16xf32, #tpu.memory_space<hbm>>) dst(%arg12 : memref<768x16xf32, #tpu.memory_space<vmem>>)
        %dma_start3A_63 = arith.constant 0 : i32
        %dma_start3A_64 = arith.constant 0 : i32
        %dma_start3A_65 = tpu.memref_slice %arg6[%dma_start3A_63, %dma_start3A_64] : memref<100128x16xf32, #tpu.memory_space<vmem_shared>> -> memref<100128x16xf32, #tpu.memory_space<vmem_shared>>
        tpu.enqueue_indirect_dma source(%arg12 : memref<768x16xf32, #tpu.memory_space<vmem>>) target(%dma_start3A_65 : memref<100128x16xf32, #tpu.memory_space<vmem_shared>>) offsets(%arg11 : memref<768xi32, #tpu.memory_space<vmem>>) semaphore(%arg14 : memref<!tpu.dma_semaphore, #tpu.memory_space<semaphore_mem>>) {add = true}
        %dma_wait3A_66 = arith.constant 0 : i32
        %dma_wait3A_67 = arith.constant 0 : i32
        %dma_wait3A_68 = tpu.memref_slice %arg6[%dma_wait3A_66, %dma_wait3A_67] : memref<100128x16xf32, #tpu.memory_space<vmem_shared>> -> memref<100128x16xf32, #tpu.memory_space<vmem_shared>>
        tpu.wait_indirect_dma semaphore(%arg14 : memref<!tpu.dma_semaphore, #tpu.memory_space<semaphore_mem>>) src(%arg9 : memref<768x16xf32, #tpu.memory_space<vmem>>) dst(%dma_wait3A_68 : memref<100128x16xf32, #tpu.memory_space<vmem_shared>>)
        %dma_wait3A_69 = arith.constant 0 : i32
        %dma_wait3A_70 = arith.constant 0 : i32
        %dma_wait3A_71 = tpu.memref_slice %arg6[%dma_wait3A_69, %dma_wait3A_70] : memref<100128x16xf32, #tpu.memory_space<vmem_shared>> -> memref<100128x16xf32, #tpu.memory_space<vmem_shared>>
        tpu.wait_indirect_dma semaphore(%arg14 : memref<!tpu.dma_semaphore, #tpu.memory_space<semaphore_mem>>) src(%arg12 : memref<768x16xf32, #tpu.memory_space<vmem>>) dst(%dma_wait3A_71 : memref<100128x16xf32, #tpu.memory_space<vmem_shared>>)
      }
      %scan3A_18 = arith.constant 66 : i32
      %barrier3A_19 = arith.constant 0 : index
      tpu.barrier barrier_id(%barrier3A_19)
      %mul3A_20 = arith.constant 6256 : i32
      %mul3A_21 = arith.muli %arg1, %mul3A_20 : i32
      %mul3A_22 = arith.constant 6256 : i32
      %mul3A_23 = arith.muli %arg1, %mul3A_22 : i32
      "tpu.region"() ({
        %run_scoped3A = tpu.sem_alloc : memref<!tpu.dma_semaphore, #tpu.memory_space<semaphore_mem>>
        %dma_start3A = arith.constant 0 : i32
        %dma_start3A_24 = arith.constant 0 : i32
        %dma_start3A_25 = tpu.memref_slice %arg5[%add3A, %dma_start3A, %dma_start3A_24] : memref<4x100096x16xf32, #tpu.memory_space<hbm>> -> memref<1x100096x16xf32, #tpu.memory_space<hbm>>
        %dma_start3A_26 = tpu.memref_squeeze %dma_start3A_25 : memref<1x100096x16xf32, #tpu.memory_space<hbm>> -> memref<100096x16xf32, #tpu.memory_space<hbm>>
        %dma_start3A_27 = arith.constant 0 : i32
        %dma_start3A_28 = tpu.memref_slice %dma_start3A_26[%mul3A_23, %dma_start3A_27] : memref<100096x16xf32, #tpu.memory_space<hbm>> -> memref<6256x16xf32, #tpu.memory_space<hbm>>
        %dma_start3A_29 = arith.constant 0 : i32
        %dma_start3A_30 = tpu.memref_slice %arg6[%mul3A_21, %dma_start3A_29] : memref<100128x16xf32, #tpu.memory_space<vmem_shared>> -> memref<6256x16xf32, #tpu.memory_space<vmem_shared>>
        tpu.enqueue_dma source(%dma_start3A_30 : memref<6256x16xf32, #tpu.memory_space<vmem_shared>>) target(%dma_start3A_28 : memref<6256x16xf32, #tpu.memory_space<hbm>>) target_semaphore(%run_scoped3A : memref<!tpu.dma_semaphore, #tpu.memory_space<semaphore_mem>>)
        %dma_wait3A = arith.constant 0 : i32
        %dma_wait3A_31 = arith.constant 0 : i32
        %dma_wait3A_32 = tpu.memref_slice %arg5[%add3A, %dma_wait3A, %dma_wait3A_31] : memref<4x100096x16xf32, #tpu.memory_space<hbm>> -> memref<1x100096x16xf32, #tpu.memory_space<hbm>>
        %dma_wait3A_33 = tpu.memref_squeeze %dma_wait3A_32 : memref<1x100096x16xf32, #tpu.memory_space<hbm>> -> memref<100096x16xf32, #tpu.memory_space<hbm>>
        %dma_wait3A_34 = arith.constant 0 : i32
        %dma_wait3A_35 = tpu.memref_slice %dma_wait3A_33[%mul3A_23, %dma_wait3A_34] : memref<100096x16xf32, #tpu.memory_space<hbm>> -> memref<6256x16xf32, #tpu.memory_space<hbm>>
        %dma_wait3A_36 = arith.constant 0 : i32
        %dma_wait3A_37 = tpu.memref_slice %arg6[%mul3A_21, %dma_wait3A_36] : memref<100128x16xf32, #tpu.memory_space<vmem_shared>> -> memref<6256x16xf32, #tpu.memory_space<vmem_shared>>
        tpu.wait_dma2 semaphore(%run_scoped3A : memref<!tpu.dma_semaphore, #tpu.memory_space<semaphore_mem>>) src(%dma_wait3A_37 : memref<6256x16xf32, #tpu.memory_space<vmem_shared>>) dst(%dma_wait3A_35 : memref<6256x16xf32, #tpu.memory_space<hbm>>)
        tpu.yield
      }) : () -> ()
    }
    %scan3A_4 = arith.constant 2 : i32
    return
  }
}

#map = affine_map<(d0, d1) -> (0)>
#map1 = affine_map<(d0, d1) -> (0, 0, 0)>
module attributes {stable_mosaic.version = 14 : i64} {
  func.func @_agg_kernel(%arg0: i32, %arg1: i32, %arg2: memref<1622016xi32, #tpu.memory_space<hbm>>, %arg3: memref<1622016xi32, #tpu.memory_space<hbm>>, %arg4: memref<4x100096x16xf32, #tpu.memory_space<hbm>>, %arg5: memref<4x100096x16xf32, #tpu.memory_space<hbm>>, %arg6: memref<100128x16xf32, #tpu.memory_space<vmem_shared>>, %arg7: memref<768xi32, #tpu.memory_space<vmem>>, %arg8: memref<768xi32, #tpu.memory_space<vmem>>, %arg9: memref<768x16xf32, #tpu.memory_space<vmem>>, %arg10: memref<768xi32, #tpu.memory_space<vmem>>, %arg11: memref<768xi32, #tpu.memory_space<vmem>>, %arg12: memref<768x16xf32, #tpu.memory_space<vmem>>, %arg13: memref<!tpu.dma_semaphore, #tpu.memory_space<semaphore_mem>>, %arg14: memref<!tpu.dma_semaphore, #tpu.memory_space<semaphore_mem>>) attributes {dimension_semantics = [#tpu.dimension_semantics<core_parallel>, #tpu.dimension_semantics<subcore_parallel>], iteration_bounds = array<i64: 2, 16>, scalar_prefetch = 0 : i64, scratch_operands = 9 : i64, tpu.core_type = #tpu.core_type<sc_vector_subcore>, window_params = [{transform_indices = #map}, {transform_indices = #map}, {transform_indices = #map1}, {transform_indices = #map1}]} {
    %scan3A = arith.constant 0 : i32
    %scan3A_0 = arith.constant 0 : i32
    %scan3A_1 = arith.constant 2 : i32
    %scan3A_2 = arith.addi %scan3A_0, %scan3A_1 : i32
    %scan3A_3 = arith.constant 1 : i32
    scf.for %scan3A_5 = %scan3A_0 to %scan3A_2 step %scan3A_3  : i32 {
      %mul3A = arith.constant 2 : i32
      %mul3A_6 = arith.muli %arg0, %mul3A : i32
      %add3A = arith.addi %mul3A_6, %scan3A_5 : i32
      %mul3A_7 = arith.constant 6256 : i32
      %mul3A_8 = arith.muli %arg1, %mul3A_7 : i32
      %mul3A_9 = arith.constant 6256 : i32
      %mul3A_10 = arith.muli %arg1, %mul3A_9 : i32
      "tpu.region"() ({
        %run_scoped3A = tpu.sem_alloc : memref<!tpu.dma_semaphore, #tpu.memory_space<semaphore_mem>>
        %dma_start3A = arith.constant 0 : i32
        %dma_start3A_24 = tpu.memref_slice %arg6[%mul3A_10, %dma_start3A] : memref<100128x16xf32, #tpu.memory_space<vmem_shared>> -> memref<6256x16xf32, #tpu.memory_space<vmem_shared>>
        %dma_start3A_25 = arith.constant 0 : i32
        %dma_start3A_26 = arith.constant 0 : i32
        %dma_start3A_27 = tpu.memref_slice %arg4[%add3A, %dma_start3A_25, %dma_start3A_26] : memref<4x100096x16xf32, #tpu.memory_space<hbm>> -> memref<1x100096x16xf32, #tpu.memory_space<hbm>>
        %dma_start3A_28 = tpu.memref_squeeze %dma_start3A_27 : memref<1x100096x16xf32, #tpu.memory_space<hbm>> -> memref<100096x16xf32, #tpu.memory_space<hbm>>
        %dma_start3A_29 = arith.constant 0 : i32
        %dma_start3A_30 = tpu.memref_slice %dma_start3A_28[%mul3A_8, %dma_start3A_29] : memref<100096x16xf32, #tpu.memory_space<hbm>> -> memref<6256x16xf32, #tpu.memory_space<hbm>>
        tpu.enqueue_dma source(%dma_start3A_30 : memref<6256x16xf32, #tpu.memory_space<hbm>>) target(%dma_start3A_24 : memref<6256x16xf32, #tpu.memory_space<vmem_shared>>) target_semaphore(%run_scoped3A : memref<!tpu.dma_semaphore, #tpu.memory_space<semaphore_mem>>)
        %dma_wait3A = arith.constant 0 : i32
        %dma_wait3A_31 = tpu.memref_slice %arg6[%mul3A_10, %dma_wait3A] : memref<100128x16xf32, #tpu.memory_space<vmem_shared>> -> memref<6256x16xf32, #tpu.memory_space<vmem_shared>>
        %dma_wait3A_32 = arith.constant 0 : i32
        %dma_wait3A_33 = arith.constant 0 : i32
        %dma_wait3A_34 = tpu.memref_slice %arg4[%add3A, %dma_wait3A_32, %dma_wait3A_33] : memref<4x100096x16xf32, #tpu.memory_space<hbm>> -> memref<1x100096x16xf32, #tpu.memory_space<hbm>>
        %dma_wait3A_35 = tpu.memref_squeeze %dma_wait3A_34 : memref<1x100096x16xf32, #tpu.memory_space<hbm>> -> memref<100096x16xf32, #tpu.memory_space<hbm>>
        %dma_wait3A_36 = arith.constant 0 : i32
        %dma_wait3A_37 = tpu.memref_slice %dma_wait3A_35[%mul3A_8, %dma_wait3A_36] : memref<100096x16xf32, #tpu.memory_space<hbm>> -> memref<6256x16xf32, #tpu.memory_space<hbm>>
        tpu.wait_dma2 semaphore(%run_scoped3A : memref<!tpu.dma_semaphore, #tpu.memory_space<semaphore_mem>>) src(%dma_wait3A_37 : memref<6256x16xf32, #tpu.memory_space<hbm>>) dst(%dma_wait3A_31 : memref<6256x16xf32, #tpu.memory_space<vmem_shared>>)
        tpu.yield
      }) : () -> ()
      %barrier3A = arith.constant 0 : index
      tpu.barrier barrier_id(%barrier3A)
      %mul3A_11 = arith.constant 101376 : i32
      %mul3A_12 = arith.muli %arg1, %mul3A_11 : i32
      %scan3A_13 = arith.constant 0 : i32
      %scan3A_14 = arith.constant 0 : i32
      %scan3A_15 = arith.constant 66 : i32
      %scan3A_16 = arith.addi %scan3A_14, %scan3A_15 : i32
      %scan3A_17 = arith.constant 1 : i32
      scf.for %scan3A_24 = %scan3A_14 to %scan3A_16 step %scan3A_17  : i32 {
        %mul3A_25 = arith.constant 2 : i32
        %mul3A_26 = arith.muli %mul3A_25, %scan3A_24 : i32
        %mul3A_27 = arith.constant 768 : i32
        %mul3A_28 = arith.muli %mul3A_26, %mul3A_27 : i32
        %add3A_29 = arith.addi %mul3A_12, %mul3A_28 : i32
        "tpu.region"() ({
          %run_scoped3A = tpu.sem_alloc : memref<!tpu.dma_semaphore, #tpu.memory_space<semaphore_mem>>
          %dma_start3A_72 = tpu.memref_slice %arg2[%add3A_29] : memref<1622016xi32, #tpu.memory_space<hbm>> -> memref<768xi32, #tpu.memory_space<hbm>>
          %dma_start3A_73 = tpu.memref_slice %arg2[%add3A_29] : memref<1622016xi32, #tpu.memory_space<hbm>> -> memref<768xi32, #tpu.memory_space<hbm>>
          tpu.enqueue_dma source(%dma_start3A_73 : memref<768xi32, #tpu.memory_space<hbm>>) target(%arg7 : memref<768xi32, #tpu.memory_space<vmem>>) target_semaphore(%run_scoped3A : memref<!tpu.dma_semaphore, #tpu.memory_space<semaphore_mem>>)
          %dma_wait3A_74 = tpu.memref_slice %arg2[%add3A_29] : memref<1622016xi32, #tpu.memory_space<hbm>> -> memref<768xi32, #tpu.memory_space<hbm>>
          %dma_wait3A_75 = tpu.memref_slice %arg2[%add3A_29] : memref<1622016xi32, #tpu.memory_space<hbm>> -> memref<768xi32, #tpu.memory_space<hbm>>
          tpu.wait_dma2 semaphore(%run_scoped3A : memref<!tpu.dma_semaphore, #tpu.memory_space<semaphore_mem>>) src(%dma_wait3A_75 : memref<768xi32, #tpu.memory_space<hbm>>) dst(%arg7 : memref<768xi32, #tpu.memory_space<vmem>>)
          tpu.yield
        }) : () -> ()
        "tpu.region"() ({
          %run_scoped3A = tpu.sem_alloc : memref<!tpu.dma_semaphore, #tpu.memory_space<semaphore_mem>>
          %dma_start3A_72 = tpu.memref_slice %arg3[%add3A_29] : memref<1622016xi32, #tpu.memory_space<hbm>> -> memref<768xi32, #tpu.memory_space<hbm>>
          %dma_start3A_73 = tpu.memref_slice %arg3[%add3A_29] : memref<1622016xi32, #tpu.memory_space<hbm>> -> memref<768xi32, #tpu.memory_space<hbm>>
          tpu.enqueue_dma source(%dma_start3A_73 : memref<768xi32, #tpu.memory_space<hbm>>) target(%arg8 : memref<768xi32, #tpu.memory_space<vmem>>) target_semaphore(%run_scoped3A : memref<!tpu.dma_semaphore, #tpu.memory_space<semaphore_mem>>)
          %dma_wait3A_74 = tpu.memref_slice %arg3[%add3A_29] : memref<1622016xi32, #tpu.memory_space<hbm>> -> memref<768xi32, #tpu.memory_space<hbm>>
          %dma_wait3A_75 = tpu.memref_slice %arg3[%add3A_29] : memref<1622016xi32, #tpu.memory_space<hbm>> -> memref<768xi32, #tpu.memory_space<hbm>>
          tpu.wait_dma2 semaphore(%run_scoped3A : memref<!tpu.dma_semaphore, #tpu.memory_space<semaphore_mem>>) src(%dma_wait3A_75 : memref<768xi32, #tpu.memory_space<hbm>>) dst(%arg8 : memref<768xi32, #tpu.memory_space<vmem>>)
          tpu.yield
        }) : () -> ()
        %dma_start3A = arith.constant 0 : i32
        %dma_start3A_30 = arith.constant 0 : i32
        %dma_start3A_31 = tpu.memref_slice %arg4[%add3A, %dma_start3A, %dma_start3A_30] : memref<4x100096x16xf32, #tpu.memory_space<hbm>> -> memref<1x100096x16xf32, #tpu.memory_space<hbm>>
        %dma_start3A_32 = tpu.memref_squeeze %dma_start3A_31 : memref<1x100096x16xf32, #tpu.memory_space<hbm>> -> memref<100096x16xf32, #tpu.memory_space<hbm>>
        %dma_start3A_33 = arith.constant 0 : i32
        %dma_start3A_34 = arith.constant 0 : i32
        %dma_start3A_35 = tpu.memref_slice %dma_start3A_32[%dma_start3A_33, %dma_start3A_34] : memref<100096x16xf32, #tpu.memory_space<hbm>> -> memref<100096x16xf32, #tpu.memory_space<hbm>>
        tpu.enqueue_indirect_dma source(%dma_start3A_35 : memref<100096x16xf32, #tpu.memory_space<hbm>>) target(%arg9 : memref<768x16xf32, #tpu.memory_space<vmem>>) offsets(%arg7 : memref<768xi32, #tpu.memory_space<vmem>>) semaphore(%arg13 : memref<!tpu.dma_semaphore, #tpu.memory_space<semaphore_mem>>)
        %add3A_36 = arith.constant 768 : i32
        %add3A_37 = arith.addi %add3A_29, %add3A_36 : i32
        "tpu.region"() ({
          %run_scoped3A = tpu.sem_alloc : memref<!tpu.dma_semaphore, #tpu.memory_space<semaphore_mem>>
          %dma_start3A_72 = tpu.memref_slice %arg2[%add3A_37] : memref<1622016xi32, #tpu.memory_space<hbm>> -> memref<768xi32, #tpu.memory_space<hbm>>
          %dma_start3A_73 = tpu.memref_slice %arg2[%add3A_37] : memref<1622016xi32, #tpu.memory_space<hbm>> -> memref<768xi32, #tpu.memory_space<hbm>>
          tpu.enqueue_dma source(%dma_start3A_73 : memref<768xi32, #tpu.memory_space<hbm>>) target(%arg10 : memref<768xi32, #tpu.memory_space<vmem>>) target_semaphore(%run_scoped3A : memref<!tpu.dma_semaphore, #tpu.memory_space<semaphore_mem>>)
          %dma_wait3A_74 = tpu.memref_slice %arg2[%add3A_37] : memref<1622016xi32, #tpu.memory_space<hbm>> -> memref<768xi32, #tpu.memory_space<hbm>>
          %dma_wait3A_75 = tpu.memref_slice %arg2[%add3A_37] : memref<1622016xi32, #tpu.memory_space<hbm>> -> memref<768xi32, #tpu.memory_space<hbm>>
          tpu.wait_dma2 semaphore(%run_scoped3A : memref<!tpu.dma_semaphore, #tpu.memory_space<semaphore_mem>>) src(%dma_wait3A_75 : memref<768xi32, #tpu.memory_space<hbm>>) dst(%arg10 : memref<768xi32, #tpu.memory_space<vmem>>)
          tpu.yield
        }) : () -> ()
        %add3A_38 = arith.constant 768 : i32
        %add3A_39 = arith.addi %add3A_29, %add3A_38 : i32
        "tpu.region"() ({
          %run_scoped3A = tpu.sem_alloc : memref<!tpu.dma_semaphore, #tpu.memory_space<semaphore_mem>>
          %dma_start3A_72 = tpu.memref_slice %arg3[%add3A_39] : memref<1622016xi32, #tpu.memory_space<hbm>> -> memref<768xi32, #tpu.memory_space<hbm>>
          %dma_start3A_73 = tpu.memref_slice %arg3[%add3A_39] : memref<1622016xi32, #tpu.memory_space<hbm>> -> memref<768xi32, #tpu.memory_space<hbm>>
          tpu.enqueue_dma source(%dma_start3A_73 : memref<768xi32, #tpu.memory_space<hbm>>) target(%arg11 : memref<768xi32, #tpu.memory_space<vmem>>) target_semaphore(%run_scoped3A : memref<!tpu.dma_semaphore, #tpu.memory_space<semaphore_mem>>)
          %dma_wait3A_74 = tpu.memref_slice %arg3[%add3A_39] : memref<1622016xi32, #tpu.memory_space<hbm>> -> memref<768xi32, #tpu.memory_space<hbm>>
          %dma_wait3A_75 = tpu.memref_slice %arg3[%add3A_39] : memref<1622016xi32, #tpu.memory_space<hbm>> -> memref<768xi32, #tpu.memory_space<hbm>>
          tpu.wait_dma2 semaphore(%run_scoped3A : memref<!tpu.dma_semaphore, #tpu.memory_space<semaphore_mem>>) src(%dma_wait3A_75 : memref<768xi32, #tpu.memory_space<hbm>>) dst(%arg11 : memref<768xi32, #tpu.memory_space<vmem>>)
          tpu.yield
        }) : () -> ()
        %dma_wait3A = arith.constant 0 : i32
        %dma_wait3A_40 = arith.constant 0 : i32
        %dma_wait3A_41 = tpu.memref_slice %arg4[%add3A, %dma_wait3A, %dma_wait3A_40] : memref<4x100096x16xf32, #tpu.memory_space<hbm>> -> memref<1x100096x16xf32, #tpu.memory_space<hbm>>
        %dma_wait3A_42 = tpu.memref_squeeze %dma_wait3A_41 : memref<1x100096x16xf32, #tpu.memory_space<hbm>> -> memref<100096x16xf32, #tpu.memory_space<hbm>>
        %dma_wait3A_43 = arith.constant 0 : i32
        %dma_wait3A_44 = arith.constant 0 : i32
        %dma_wait3A_45 = tpu.memref_slice %dma_wait3A_42[%dma_wait3A_43, %dma_wait3A_44] : memref<100096x16xf32, #tpu.memory_space<hbm>> -> memref<100096x16xf32, #tpu.memory_space<hbm>>
        tpu.wait_indirect_dma semaphore(%arg13 : memref<!tpu.dma_semaphore, #tpu.memory_space<semaphore_mem>>) src(%dma_wait3A_45 : memref<100096x16xf32, #tpu.memory_space<hbm>>) dst(%arg9 : memref<768x16xf32, #tpu.memory_space<vmem>>)
        %dma_start3A_46 = arith.constant 0 : i32
        %dma_start3A_47 = arith.constant 0 : i32
        %dma_start3A_48 = tpu.memref_slice %arg4[%add3A, %dma_start3A_46, %dma_start3A_47] : memref<4x100096x16xf32, #tpu.memory_space<hbm>> -> memref<1x100096x16xf32, #tpu.memory_space<hbm>>
        %dma_start3A_49 = tpu.memref_squeeze %dma_start3A_48 : memref<1x100096x16xf32, #tpu.memory_space<hbm>> -> memref<100096x16xf32, #tpu.memory_space<hbm>>
        %dma_start3A_50 = arith.constant 0 : i32
        %dma_start3A_51 = arith.constant 0 : i32
        %dma_start3A_52 = tpu.memref_slice %dma_start3A_49[%dma_start3A_50, %dma_start3A_51] : memref<100096x16xf32, #tpu.memory_space<hbm>> -> memref<100096x16xf32, #tpu.memory_space<hbm>>
        tpu.enqueue_indirect_dma source(%dma_start3A_52 : memref<100096x16xf32, #tpu.memory_space<hbm>>) target(%arg12 : memref<768x16xf32, #tpu.memory_space<vmem>>) offsets(%arg10 : memref<768xi32, #tpu.memory_space<vmem>>) semaphore(%arg13 : memref<!tpu.dma_semaphore, #tpu.memory_space<semaphore_mem>>)
        %dma_start3A_53 = arith.constant 0 : i32
        %dma_start3A_54 = arith.constant 0 : i32
        %dma_start3A_55 = tpu.memref_slice %arg6[%dma_start3A_53, %dma_start3A_54] : memref<100128x16xf32, #tpu.memory_space<vmem_shared>> -> memref<100128x16xf32, #tpu.memory_space<vmem_shared>>
        tpu.enqueue_indirect_dma source(%arg9 : memref<768x16xf32, #tpu.memory_space<vmem>>) target(%dma_start3A_55 : memref<100128x16xf32, #tpu.memory_space<vmem_shared>>) offsets(%arg8 : memref<768xi32, #tpu.memory_space<vmem>>) semaphore(%arg14 : memref<!tpu.dma_semaphore, #tpu.memory_space<semaphore_mem>>) {add = true}
        %dma_wait3A_56 = arith.constant 0 : i32
        %dma_wait3A_57 = arith.constant 0 : i32
        %dma_wait3A_58 = tpu.memref_slice %arg4[%add3A, %dma_wait3A_56, %dma_wait3A_57] : memref<4x100096x16xf32, #tpu.memory_space<hbm>> -> memref<1x100096x16xf32, #tpu.memory_space<hbm>>
        %dma_wait3A_59 = tpu.memref_squeeze %dma_wait3A_58 : memref<1x100096x16xf32, #tpu.memory_space<hbm>> -> memref<100096x16xf32, #tpu.memory_space<hbm>>
        %dma_wait3A_60 = arith.constant 0 : i32
        %dma_wait3A_61 = arith.constant 0 : i32
        %dma_wait3A_62 = tpu.memref_slice %dma_wait3A_59[%dma_wait3A_60, %dma_wait3A_61] : memref<100096x16xf32, #tpu.memory_space<hbm>> -> memref<100096x16xf32, #tpu.memory_space<hbm>>
        tpu.wait_indirect_dma semaphore(%arg13 : memref<!tpu.dma_semaphore, #tpu.memory_space<semaphore_mem>>) src(%dma_wait3A_62 : memref<100096x16xf32, #tpu.memory_space<hbm>>) dst(%arg12 : memref<768x16xf32, #tpu.memory_space<vmem>>)
        %dma_start3A_63 = arith.constant 0 : i32
        %dma_start3A_64 = arith.constant 0 : i32
        %dma_start3A_65 = tpu.memref_slice %arg6[%dma_start3A_63, %dma_start3A_64] : memref<100128x16xf32, #tpu.memory_space<vmem_shared>> -> memref<100128x16xf32, #tpu.memory_space<vmem_shared>>
        tpu.enqueue_indirect_dma source(%arg12 : memref<768x16xf32, #tpu.memory_space<vmem>>) target(%dma_start3A_65 : memref<100128x16xf32, #tpu.memory_space<vmem_shared>>) offsets(%arg11 : memref<768xi32, #tpu.memory_space<vmem>>) semaphore(%arg14 : memref<!tpu.dma_semaphore, #tpu.memory_space<semaphore_mem>>) {add = true}
        %dma_wait3A_66 = arith.constant 0 : i32
        %dma_wait3A_67 = arith.constant 0 : i32
        %dma_wait3A_68 = tpu.memref_slice %arg6[%dma_wait3A_66, %dma_wait3A_67] : memref<100128x16xf32, #tpu.memory_space<vmem_shared>> -> memref<100128x16xf32, #tpu.memory_space<vmem_shared>>
        tpu.wait_indirect_dma semaphore(%arg14 : memref<!tpu.dma_semaphore, #tpu.memory_space<semaphore_mem>>) src(%arg9 : memref<768x16xf32, #tpu.memory_space<vmem>>) dst(%dma_wait3A_68 : memref<100128x16xf32, #tpu.memory_space<vmem_shared>>)
        %dma_wait3A_69 = arith.constant 0 : i32
        %dma_wait3A_70 = arith.constant 0 : i32
        %dma_wait3A_71 = tpu.memref_slice %arg6[%dma_wait3A_69, %dma_wait3A_70] : memref<100128x16xf32, #tpu.memory_space<vmem_shared>> -> memref<100128x16xf32, #tpu.memory_space<vmem_shared>>
        tpu.wait_indirect_dma semaphore(%arg14 : memref<!tpu.dma_semaphore, #tpu.memory_space<semaphore_mem>>) src(%arg12 : memref<768x16xf32, #tpu.memory_space<vmem>>) dst(%dma_wait3A_71 : memref<100128x16xf32, #tpu.memory_space<vmem_shared>>)
      }
      %scan3A_18 = arith.constant 66 : i32
      %barrier3A_19 = arith.constant 0 : index
      tpu.barrier barrier_id(%barrier3A_19)
      %mul3A_20 = arith.constant 6256 : i32
      %mul3A_21 = arith.muli %arg1, %mul3A_20 : i32
      %mul3A_22 = arith.constant 6256 : i32
      %mul3A_23 = arith.muli %arg1, %mul3A_22 : i32
      "tpu.region"() ({
        %run_scoped3A = tpu.sem_alloc : memref<!tpu.dma_semaphore, #tpu.memory_space<semaphore_mem>>
        %dma_start3A = arith.constant 0 : i32
        %dma_start3A_24 = arith.constant 0 : i32
        %dma_start3A_25 = tpu.memref_slice %arg5[%add3A, %dma_start3A, %dma_start3A_24] : memref<4x100096x16xf32, #tpu.memory_space<hbm>> -> memref<1x100096x16xf32, #tpu.memory_space<hbm>>
        %dma_start3A_26 = tpu.memref_squeeze %dma_start3A_25 : memref<1x100096x16xf32, #tpu.memory_space<hbm>> -> memref<100096x16xf32, #tpu.memory_space<hbm>>
        %dma_start3A_27 = arith.constant 0 : i32
        %dma_start3A_28 = tpu.memref_slice %dma_start3A_26[%mul3A_23, %dma_start3A_27] : memref<100096x16xf32, #tpu.memory_space<hbm>> -> memref<6256x16xf32, #tpu.memory_space<hbm>>
        %dma_start3A_29 = arith.constant 0 : i32
        %dma_start3A_30 = tpu.memref_slice %arg6[%mul3A_21, %dma_start3A_29] : memref<100128x16xf32, #tpu.memory_space<vmem_shared>> -> memref<6256x16xf32, #tpu.memory_space<vmem_shared>>
        tpu.enqueue_dma source(%dma_start3A_30 : memref<6256x16xf32, #tpu.memory_space<vmem_shared>>) target(%dma_start3A_28 : memref<6256x16xf32, #tpu.memory_space<hbm>>) target_semaphore(%run_scoped3A : memref<!tpu.dma_semaphore, #tpu.memory_space<semaphore_mem>>)
        %dma_wait3A = arith.constant 0 : i32
        %dma_wait3A_31 = arith.constant 0 : i32
        %dma_wait3A_32 = tpu.memref_slice %arg5[%add3A, %dma_wait3A, %dma_wait3A_31] : memref<4x100096x16xf32, #tpu.memory_space<hbm>> -> memref<1x100096x16xf32, #tpu.memory_space<hbm>>
        %dma_wait3A_33 = tpu.memref_squeeze %dma_wait3A_32 : memref<1x100096x16xf32, #tpu.memory_space<hbm>> -> memref<100096x16xf32, #tpu.memory_space<hbm>>
        %dma_wait3A_34 = arith.constant 0 : i32
        %dma_wait3A_35 = tpu.memref_slice %dma_wait3A_33[%mul3A_23, %dma_wait3A_34] : memref<100096x16xf32, #tpu.memory_space<hbm>> -> memref<6256x16xf32, #tpu.memory_space<hbm>>
        %dma_wait3A_36 = arith.constant 0 : i32
        %dma_wait3A_37 = tpu.memref_slice %arg6[%mul3A_21, %dma_wait3A_36] : memref<100128x16xf32, #tpu.memory_space<vmem_shared>> -> memref<6256x16xf32, #tpu.memory_space<vmem_shared>>
        tpu.wait_dma2 semaphore(%run_scoped3A : memref<!tpu.dma_semaphore, #tpu.memory_space<semaphore_mem>>) src(%dma_wait3A_37 : memref<6256x16xf32, #tpu.memory_space<vmem_shared>>) dst(%dma_wait3A_35 : memref<6256x16xf32, #tpu.memory_space<hbm>>)
        tpu.yield
      }) : () -> ()
    }
    %scan3A_4 = arith.constant 2 : i32
    return
  }
}

#map = affine_map<(d0, d1) -> (0)>
#map1 = affine_map<(d0, d1) -> (0, 0, 0)>
module attributes {stable_mosaic.version = 14 : i64} {
  func.func @_agg_kernel(%arg0: i32, %arg1: i32, %arg2: memref<1622016xi32, #tpu.memory_space<hbm>>, %arg3: memref<1622016xi32, #tpu.memory_space<hbm>>, %arg4: memref<2x100096x16xf32, #tpu.memory_space<hbm>>, %arg5: memref<2x100096x16xf32, #tpu.memory_space<hbm>>, %arg6: memref<100128x16xf32, #tpu.memory_space<vmem_shared>>, %arg7: memref<768xi32, #tpu.memory_space<vmem>>, %arg8: memref<768xi32, #tpu.memory_space<vmem>>, %arg9: memref<768x16xf32, #tpu.memory_space<vmem>>, %arg10: memref<768xi32, #tpu.memory_space<vmem>>, %arg11: memref<768xi32, #tpu.memory_space<vmem>>, %arg12: memref<768x16xf32, #tpu.memory_space<vmem>>, %arg13: memref<!tpu.dma_semaphore, #tpu.memory_space<semaphore_mem>>, %arg14: memref<!tpu.dma_semaphore, #tpu.memory_space<semaphore_mem>>) attributes {dimension_semantics = [#tpu.dimension_semantics<core_parallel>, #tpu.dimension_semantics<subcore_parallel>], iteration_bounds = array<i64: 2, 16>, scalar_prefetch = 0 : i64, scratch_operands = 9 : i64, tpu.core_type = #tpu.core_type<sc_vector_subcore>, window_params = [{transform_indices = #map}, {transform_indices = #map}, {transform_indices = #map1}, {transform_indices = #map1}]} {
    %scan3A = arith.constant 0 : i32
    %scan3A_0 = arith.constant 0 : i32
    %mul3A = arith.constant 1 : i32
    %mul3A_1 = arith.muli %arg0, %mul3A : i32
    %add3A = arith.addi %mul3A_1, %scan3A_0 : i32
    %mul3A_2 = arith.constant 6256 : i32
    %mul3A_3 = arith.muli %arg1, %mul3A_2 : i32
    %mul3A_4 = arith.constant 6256 : i32
    %mul3A_5 = arith.muli %arg1, %mul3A_4 : i32
    "tpu.region"() ({
      %run_scoped3A = tpu.sem_alloc : memref<!tpu.dma_semaphore, #tpu.memory_space<semaphore_mem>>
      %dma_start3A = arith.constant 0 : i32
      %dma_start3A_20 = tpu.memref_slice %arg6[%mul3A_5, %dma_start3A] : memref<100128x16xf32, #tpu.memory_space<vmem_shared>> -> memref<6256x16xf32, #tpu.memory_space<vmem_shared>>
      %dma_start3A_21 = arith.constant 0 : i32
      %dma_start3A_22 = arith.constant 0 : i32
      %dma_start3A_23 = tpu.memref_slice %arg4[%add3A, %dma_start3A_21, %dma_start3A_22] : memref<2x100096x16xf32, #tpu.memory_space<hbm>> -> memref<1x100096x16xf32, #tpu.memory_space<hbm>>
      %dma_start3A_24 = tpu.memref_squeeze %dma_start3A_23 : memref<1x100096x16xf32, #tpu.memory_space<hbm>> -> memref<100096x16xf32, #tpu.memory_space<hbm>>
      %dma_start3A_25 = arith.constant 0 : i32
      %dma_start3A_26 = tpu.memref_slice %dma_start3A_24[%mul3A_3, %dma_start3A_25] : memref<100096x16xf32, #tpu.memory_space<hbm>> -> memref<6256x16xf32, #tpu.memory_space<hbm>>
      tpu.enqueue_dma source(%dma_start3A_26 : memref<6256x16xf32, #tpu.memory_space<hbm>>) target(%dma_start3A_20 : memref<6256x16xf32, #tpu.memory_space<vmem_shared>>) target_semaphore(%run_scoped3A : memref<!tpu.dma_semaphore, #tpu.memory_space<semaphore_mem>>)
      %dma_wait3A = arith.constant 0 : i32
      %dma_wait3A_27 = tpu.memref_slice %arg6[%mul3A_5, %dma_wait3A] : memref<100128x16xf32, #tpu.memory_space<vmem_shared>> -> memref<6256x16xf32, #tpu.memory_space<vmem_shared>>
      %dma_wait3A_28 = arith.constant 0 : i32
      %dma_wait3A_29 = arith.constant 0 : i32
      %dma_wait3A_30 = tpu.memref_slice %arg4[%add3A, %dma_wait3A_28, %dma_wait3A_29] : memref<2x100096x16xf32, #tpu.memory_space<hbm>> -> memref<1x100096x16xf32, #tpu.memory_space<hbm>>
      %dma_wait3A_31 = tpu.memref_squeeze %dma_wait3A_30 : memref<1x100096x16xf32, #tpu.memory_space<hbm>> -> memref<100096x16xf32, #tpu.memory_space<hbm>>
      %dma_wait3A_32 = arith.constant 0 : i32
      %dma_wait3A_33 = tpu.memref_slice %dma_wait3A_31[%mul3A_3, %dma_wait3A_32] : memref<100096x16xf32, #tpu.memory_space<hbm>> -> memref<6256x16xf32, #tpu.memory_space<hbm>>
      tpu.wait_dma2 semaphore(%run_scoped3A : memref<!tpu.dma_semaphore, #tpu.memory_space<semaphore_mem>>) src(%dma_wait3A_33 : memref<6256x16xf32, #tpu.memory_space<hbm>>) dst(%dma_wait3A_27 : memref<6256x16xf32, #tpu.memory_space<vmem_shared>>)
      tpu.yield
    }) : () -> ()
    %barrier3A = arith.constant 0 : index
    tpu.barrier barrier_id(%barrier3A)
    %mul3A_6 = arith.constant 101376 : i32
    %mul3A_7 = arith.muli %arg1, %mul3A_6 : i32
    %scan3A_8 = arith.constant 0 : i32
    %scan3A_9 = arith.constant 0 : i32
    %scan3A_10 = arith.constant 66 : i32
    %scan3A_11 = arith.addi %scan3A_9, %scan3A_10 : i32
    %scan3A_12 = arith.constant 1 : i32
    scf.for %scan3A_20 = %scan3A_9 to %scan3A_11 step %scan3A_12  : i32 {
      %mul3A_21 = arith.constant 2 : i32
      %mul3A_22 = arith.muli %mul3A_21, %scan3A_20 : i32
      %mul3A_23 = arith.constant 768 : i32
      %mul3A_24 = arith.muli %mul3A_22, %mul3A_23 : i32
      %add3A_25 = arith.addi %mul3A_7, %mul3A_24 : i32
      "tpu.region"() ({
        %run_scoped3A = tpu.sem_alloc : memref<!tpu.dma_semaphore, #tpu.memory_space<semaphore_mem>>
        %dma_start3A_68 = tpu.memref_slice %arg2[%add3A_25] : memref<1622016xi32, #tpu.memory_space<hbm>> -> memref<768xi32, #tpu.memory_space<hbm>>
        %dma_start3A_69 = tpu.memref_slice %arg2[%add3A_25] : memref<1622016xi32, #tpu.memory_space<hbm>> -> memref<768xi32, #tpu.memory_space<hbm>>
        tpu.enqueue_dma source(%dma_start3A_69 : memref<768xi32, #tpu.memory_space<hbm>>) target(%arg7 : memref<768xi32, #tpu.memory_space<vmem>>) target_semaphore(%run_scoped3A : memref<!tpu.dma_semaphore, #tpu.memory_space<semaphore_mem>>)
        %dma_wait3A_70 = tpu.memref_slice %arg2[%add3A_25] : memref<1622016xi32, #tpu.memory_space<hbm>> -> memref<768xi32, #tpu.memory_space<hbm>>
        %dma_wait3A_71 = tpu.memref_slice %arg2[%add3A_25] : memref<1622016xi32, #tpu.memory_space<hbm>> -> memref<768xi32, #tpu.memory_space<hbm>>
        tpu.wait_dma2 semaphore(%run_scoped3A : memref<!tpu.dma_semaphore, #tpu.memory_space<semaphore_mem>>) src(%dma_wait3A_71 : memref<768xi32, #tpu.memory_space<hbm>>) dst(%arg7 : memref<768xi32, #tpu.memory_space<vmem>>)
        tpu.yield
      }) : () -> ()
      "tpu.region"() ({
        %run_scoped3A = tpu.sem_alloc : memref<!tpu.dma_semaphore, #tpu.memory_space<semaphore_mem>>
        %dma_start3A_68 = tpu.memref_slice %arg3[%add3A_25] : memref<1622016xi32, #tpu.memory_space<hbm>> -> memref<768xi32, #tpu.memory_space<hbm>>
        %dma_start3A_69 = tpu.memref_slice %arg3[%add3A_25] : memref<1622016xi32, #tpu.memory_space<hbm>> -> memref<768xi32, #tpu.memory_space<hbm>>
        tpu.enqueue_dma source(%dma_start3A_69 : memref<768xi32, #tpu.memory_space<hbm>>) target(%arg8 : memref<768xi32, #tpu.memory_space<vmem>>) target_semaphore(%run_scoped3A : memref<!tpu.dma_semaphore, #tpu.memory_space<semaphore_mem>>)
        %dma_wait3A_70 = tpu.memref_slice %arg3[%add3A_25] : memref<1622016xi32, #tpu.memory_space<hbm>> -> memref<768xi32, #tpu.memory_space<hbm>>
        %dma_wait3A_71 = tpu.memref_slice %arg3[%add3A_25] : memref<1622016xi32, #tpu.memory_space<hbm>> -> memref<768xi32, #tpu.memory_space<hbm>>
        tpu.wait_dma2 semaphore(%run_scoped3A : memref<!tpu.dma_semaphore, #tpu.memory_space<semaphore_mem>>) src(%dma_wait3A_71 : memref<768xi32, #tpu.memory_space<hbm>>) dst(%arg8 : memref<768xi32, #tpu.memory_space<vmem>>)
        tpu.yield
      }) : () -> ()
      %dma_start3A = arith.constant 0 : i32
      %dma_start3A_26 = arith.constant 0 : i32
      %dma_start3A_27 = tpu.memref_slice %arg4[%add3A, %dma_start3A, %dma_start3A_26] : memref<2x100096x16xf32, #tpu.memory_space<hbm>> -> memref<1x100096x16xf32, #tpu.memory_space<hbm>>
      %dma_start3A_28 = tpu.memref_squeeze %dma_start3A_27 : memref<1x100096x16xf32, #tpu.memory_space<hbm>> -> memref<100096x16xf32, #tpu.memory_space<hbm>>
      %dma_start3A_29 = arith.constant 0 : i32
      %dma_start3A_30 = arith.constant 0 : i32
      %dma_start3A_31 = tpu.memref_slice %dma_start3A_28[%dma_start3A_29, %dma_start3A_30] : memref<100096x16xf32, #tpu.memory_space<hbm>> -> memref<100096x16xf32, #tpu.memory_space<hbm>>
      tpu.enqueue_indirect_dma source(%dma_start3A_31 : memref<100096x16xf32, #tpu.memory_space<hbm>>) target(%arg9 : memref<768x16xf32, #tpu.memory_space<vmem>>) offsets(%arg7 : memref<768xi32, #tpu.memory_space<vmem>>) semaphore(%arg13 : memref<!tpu.dma_semaphore, #tpu.memory_space<semaphore_mem>>)
      %add3A_32 = arith.constant 768 : i32
      %add3A_33 = arith.addi %add3A_25, %add3A_32 : i32
      "tpu.region"() ({
        %run_scoped3A = tpu.sem_alloc : memref<!tpu.dma_semaphore, #tpu.memory_space<semaphore_mem>>
        %dma_start3A_68 = tpu.memref_slice %arg2[%add3A_33] : memref<1622016xi32, #tpu.memory_space<hbm>> -> memref<768xi32, #tpu.memory_space<hbm>>
        %dma_start3A_69 = tpu.memref_slice %arg2[%add3A_33] : memref<1622016xi32, #tpu.memory_space<hbm>> -> memref<768xi32, #tpu.memory_space<hbm>>
        tpu.enqueue_dma source(%dma_start3A_69 : memref<768xi32, #tpu.memory_space<hbm>>) target(%arg10 : memref<768xi32, #tpu.memory_space<vmem>>) target_semaphore(%run_scoped3A : memref<!tpu.dma_semaphore, #tpu.memory_space<semaphore_mem>>)
        %dma_wait3A_70 = tpu.memref_slice %arg2[%add3A_33] : memref<1622016xi32, #tpu.memory_space<hbm>> -> memref<768xi32, #tpu.memory_space<hbm>>
        %dma_wait3A_71 = tpu.memref_slice %arg2[%add3A_33] : memref<1622016xi32, #tpu.memory_space<hbm>> -> memref<768xi32, #tpu.memory_space<hbm>>
        tpu.wait_dma2 semaphore(%run_scoped3A : memref<!tpu.dma_semaphore, #tpu.memory_space<semaphore_mem>>) src(%dma_wait3A_71 : memref<768xi32, #tpu.memory_space<hbm>>) dst(%arg10 : memref<768xi32, #tpu.memory_space<vmem>>)
        tpu.yield
      }) : () -> ()
      %add3A_34 = arith.constant 768 : i32
      %add3A_35 = arith.addi %add3A_25, %add3A_34 : i32
      "tpu.region"() ({
        %run_scoped3A = tpu.sem_alloc : memref<!tpu.dma_semaphore, #tpu.memory_space<semaphore_mem>>
        %dma_start3A_68 = tpu.memref_slice %arg3[%add3A_35] : memref<1622016xi32, #tpu.memory_space<hbm>> -> memref<768xi32, #tpu.memory_space<hbm>>
        %dma_start3A_69 = tpu.memref_slice %arg3[%add3A_35] : memref<1622016xi32, #tpu.memory_space<hbm>> -> memref<768xi32, #tpu.memory_space<hbm>>
        tpu.enqueue_dma source(%dma_start3A_69 : memref<768xi32, #tpu.memory_space<hbm>>) target(%arg11 : memref<768xi32, #tpu.memory_space<vmem>>) target_semaphore(%run_scoped3A : memref<!tpu.dma_semaphore, #tpu.memory_space<semaphore_mem>>)
        %dma_wait3A_70 = tpu.memref_slice %arg3[%add3A_35] : memref<1622016xi32, #tpu.memory_space<hbm>> -> memref<768xi32, #tpu.memory_space<hbm>>
        %dma_wait3A_71 = tpu.memref_slice %arg3[%add3A_35] : memref<1622016xi32, #tpu.memory_space<hbm>> -> memref<768xi32, #tpu.memory_space<hbm>>
        tpu.wait_dma2 semaphore(%run_scoped3A : memref<!tpu.dma_semaphore, #tpu.memory_space<semaphore_mem>>) src(%dma_wait3A_71 : memref<768xi32, #tpu.memory_space<hbm>>) dst(%arg11 : memref<768xi32, #tpu.memory_space<vmem>>)
        tpu.yield
      }) : () -> ()
      %dma_wait3A = arith.constant 0 : i32
      %dma_wait3A_36 = arith.constant 0 : i32
      %dma_wait3A_37 = tpu.memref_slice %arg4[%add3A, %dma_wait3A, %dma_wait3A_36] : memref<2x100096x16xf32, #tpu.memory_space<hbm>> -> memref<1x100096x16xf32, #tpu.memory_space<hbm>>
      %dma_wait3A_38 = tpu.memref_squeeze %dma_wait3A_37 : memref<1x100096x16xf32, #tpu.memory_space<hbm>> -> memref<100096x16xf32, #tpu.memory_space<hbm>>
      %dma_wait3A_39 = arith.constant 0 : i32
      %dma_wait3A_40 = arith.constant 0 : i32
      %dma_wait3A_41 = tpu.memref_slice %dma_wait3A_38[%dma_wait3A_39, %dma_wait3A_40] : memref<100096x16xf32, #tpu.memory_space<hbm>> -> memref<100096x16xf32, #tpu.memory_space<hbm>>
      tpu.wait_indirect_dma semaphore(%arg13 : memref<!tpu.dma_semaphore, #tpu.memory_space<semaphore_mem>>) src(%dma_wait3A_41 : memref<100096x16xf32, #tpu.memory_space<hbm>>) dst(%arg9 : memref<768x16xf32, #tpu.memory_space<vmem>>)
      %dma_start3A_42 = arith.constant 0 : i32
      %dma_start3A_43 = arith.constant 0 : i32
      %dma_start3A_44 = tpu.memref_slice %arg4[%add3A, %dma_start3A_42, %dma_start3A_43] : memref<2x100096x16xf32, #tpu.memory_space<hbm>> -> memref<1x100096x16xf32, #tpu.memory_space<hbm>>
      %dma_start3A_45 = tpu.memref_squeeze %dma_start3A_44 : memref<1x100096x16xf32, #tpu.memory_space<hbm>> -> memref<100096x16xf32, #tpu.memory_space<hbm>>
      %dma_start3A_46 = arith.constant 0 : i32
      %dma_start3A_47 = arith.constant 0 : i32
      %dma_start3A_48 = tpu.memref_slice %dma_start3A_45[%dma_start3A_46, %dma_start3A_47] : memref<100096x16xf32, #tpu.memory_space<hbm>> -> memref<100096x16xf32, #tpu.memory_space<hbm>>
      tpu.enqueue_indirect_dma source(%dma_start3A_48 : memref<100096x16xf32, #tpu.memory_space<hbm>>) target(%arg12 : memref<768x16xf32, #tpu.memory_space<vmem>>) offsets(%arg10 : memref<768xi32, #tpu.memory_space<vmem>>) semaphore(%arg13 : memref<!tpu.dma_semaphore, #tpu.memory_space<semaphore_mem>>)
      %dma_start3A_49 = arith.constant 0 : i32
      %dma_start3A_50 = arith.constant 0 : i32
      %dma_start3A_51 = tpu.memref_slice %arg6[%dma_start3A_49, %dma_start3A_50] : memref<100128x16xf32, #tpu.memory_space<vmem_shared>> -> memref<100128x16xf32, #tpu.memory_space<vmem_shared>>
      tpu.enqueue_indirect_dma source(%arg9 : memref<768x16xf32, #tpu.memory_space<vmem>>) target(%dma_start3A_51 : memref<100128x16xf32, #tpu.memory_space<vmem_shared>>) offsets(%arg8 : memref<768xi32, #tpu.memory_space<vmem>>) semaphore(%arg14 : memref<!tpu.dma_semaphore, #tpu.memory_space<semaphore_mem>>) {add = true}
      %dma_wait3A_52 = arith.constant 0 : i32
      %dma_wait3A_53 = arith.constant 0 : i32
      %dma_wait3A_54 = tpu.memref_slice %arg4[%add3A, %dma_wait3A_52, %dma_wait3A_53] : memref<2x100096x16xf32, #tpu.memory_space<hbm>> -> memref<1x100096x16xf32, #tpu.memory_space<hbm>>
      %dma_wait3A_55 = tpu.memref_squeeze %dma_wait3A_54 : memref<1x100096x16xf32, #tpu.memory_space<hbm>> -> memref<100096x16xf32, #tpu.memory_space<hbm>>
      %dma_wait3A_56 = arith.constant 0 : i32
      %dma_wait3A_57 = arith.constant 0 : i32
      %dma_wait3A_58 = tpu.memref_slice %dma_wait3A_55[%dma_wait3A_56, %dma_wait3A_57] : memref<100096x16xf32, #tpu.memory_space<hbm>> -> memref<100096x16xf32, #tpu.memory_space<hbm>>
      tpu.wait_indirect_dma semaphore(%arg13 : memref<!tpu.dma_semaphore, #tpu.memory_space<semaphore_mem>>) src(%dma_wait3A_58 : memref<100096x16xf32, #tpu.memory_space<hbm>>) dst(%arg12 : memref<768x16xf32, #tpu.memory_space<vmem>>)
      %dma_start3A_59 = arith.constant 0 : i32
      %dma_start3A_60 = arith.constant 0 : i32
      %dma_start3A_61 = tpu.memref_slice %arg6[%dma_start3A_59, %dma_start3A_60] : memref<100128x16xf32, #tpu.memory_space<vmem_shared>> -> memref<100128x16xf32, #tpu.memory_space<vmem_shared>>
      tpu.enqueue_indirect_dma source(%arg12 : memref<768x16xf32, #tpu.memory_space<vmem>>) target(%dma_start3A_61 : memref<100128x16xf32, #tpu.memory_space<vmem_shared>>) offsets(%arg11 : memref<768xi32, #tpu.memory_space<vmem>>) semaphore(%arg14 : memref<!tpu.dma_semaphore, #tpu.memory_space<semaphore_mem>>) {add = true}
      %dma_wait3A_62 = arith.constant 0 : i32
      %dma_wait3A_63 = arith.constant 0 : i32
      %dma_wait3A_64 = tpu.memref_slice %arg6[%dma_wait3A_62, %dma_wait3A_63] : memref<100128x16xf32, #tpu.memory_space<vmem_shared>> -> memref<100128x16xf32, #tpu.memory_space<vmem_shared>>
      tpu.wait_indirect_dma semaphore(%arg14 : memref<!tpu.dma_semaphore, #tpu.memory_space<semaphore_mem>>) src(%arg9 : memref<768x16xf32, #tpu.memory_space<vmem>>) dst(%dma_wait3A_64 : memref<100128x16xf32, #tpu.memory_space<vmem_shared>>)
      %dma_wait3A_65 = arith.constant 0 : i32
      %dma_wait3A_66 = arith.constant 0 : i32
      %dma_wait3A_67 = tpu.memref_slice %arg6[%dma_wait3A_65, %dma_wait3A_66] : memref<100128x16xf32, #tpu.memory_space<vmem_shared>> -> memref<100128x16xf32, #tpu.memory_space<vmem_shared>>
      tpu.wait_indirect_dma semaphore(%arg14 : memref<!tpu.dma_semaphore, #tpu.memory_space<semaphore_mem>>) src(%arg12 : memref<768x16xf32, #tpu.memory_space<vmem>>) dst(%dma_wait3A_67 : memref<100128x16xf32, #tpu.memory_space<vmem_shared>>)
    }
    %scan3A_13 = arith.constant 66 : i32
    %barrier3A_14 = arith.constant 0 : index
    tpu.barrier barrier_id(%barrier3A_14)
    %mul3A_15 = arith.constant 6256 : i32
    %mul3A_16 = arith.muli %arg1, %mul3A_15 : i32
    %mul3A_17 = arith.constant 6256 : i32
    %mul3A_18 = arith.muli %arg1, %mul3A_17 : i32
    "tpu.region"() ({
      %run_scoped3A = tpu.sem_alloc : memref<!tpu.dma_semaphore, #tpu.memory_space<semaphore_mem>>
      %dma_start3A = arith.constant 0 : i32
      %dma_start3A_20 = arith.constant 0 : i32
      %dma_start3A_21 = tpu.memref_slice %arg5[%add3A, %dma_start3A, %dma_start3A_20] : memref<2x100096x16xf32, #tpu.memory_space<hbm>> -> memref<1x100096x16xf32, #tpu.memory_space<hbm>>
      %dma_start3A_22 = tpu.memref_squeeze %dma_start3A_21 : memref<1x100096x16xf32, #tpu.memory_space<hbm>> -> memref<100096x16xf32, #tpu.memory_space<hbm>>
      %dma_start3A_23 = arith.constant 0 : i32
      %dma_start3A_24 = tpu.memref_slice %dma_start3A_22[%mul3A_18, %dma_start3A_23] : memref<100096x16xf32, #tpu.memory_space<hbm>> -> memref<6256x16xf32, #tpu.memory_space<hbm>>
      %dma_start3A_25 = arith.constant 0 : i32
      %dma_start3A_26 = tpu.memref_slice %arg6[%mul3A_16, %dma_start3A_25] : memref<100128x16xf32, #tpu.memory_space<vmem_shared>> -> memref<6256x16xf32, #tpu.memory_space<vmem_shared>>
      tpu.enqueue_dma source(%dma_start3A_26 : memref<6256x16xf32, #tpu.memory_space<vmem_shared>>) target(%dma_start3A_24 : memref<6256x16xf32, #tpu.memory_space<hbm>>) target_semaphore(%run_scoped3A : memref<!tpu.dma_semaphore, #tpu.memory_space<semaphore_mem>>)
      %dma_wait3A = arith.constant 0 : i32
      %dma_wait3A_27 = arith.constant 0 : i32
      %dma_wait3A_28 = tpu.memref_slice %arg5[%add3A, %dma_wait3A, %dma_wait3A_27] : memref<2x100096x16xf32, #tpu.memory_space<hbm>> -> memref<1x100096x16xf32, #tpu.memory_space<hbm>>
      %dma_wait3A_29 = tpu.memref_squeeze %dma_wait3A_28 : memref<1x100096x16xf32, #tpu.memory_space<hbm>> -> memref<100096x16xf32, #tpu.memory_space<hbm>>
      %dma_wait3A_30 = arith.constant 0 : i32
      %dma_wait3A_31 = tpu.memref_slice %dma_wait3A_29[%mul3A_18, %dma_wait3A_30] : memref<100096x16xf32, #tpu.memory_space<hbm>> -> memref<6256x16xf32, #tpu.memory_space<hbm>>
      %dma_wait3A_32 = arith.constant 0 : i32
      %dma_wait3A_33 = tpu.memref_slice %arg6[%mul3A_16, %dma_wait3A_32] : memref<100128x16xf32, #tpu.memory_space<vmem_shared>> -> memref<6256x16xf32, #tpu.memory_space<vmem_shared>>
      tpu.wait_dma2 semaphore(%run_scoped3A : memref<!tpu.dma_semaphore, #tpu.memory_space<semaphore_mem>>) src(%dma_wait3A_33 : memref<6256x16xf32, #tpu.memory_space<vmem_shared>>) dst(%dma_wait3A_31 : memref<6256x16xf32, #tpu.memory_space<hbm>>)
      tpu.yield
    }) : () -> ()
    %scan3A_19 = arith.constant 1 : i32
    return
  }
}

#map = affine_map<(d0, d1) -> (0)>
#map1 = affine_map<(d0, d1) -> (0, 0)>
#map2 = affine_map<(d0, d1) -> (0, 0, 0)>
module attributes {stable_mosaic.version = 14 : i64} {
  func.func @_deg_kernel(%arg0: i32, %arg1: i32, %arg2: memref<1622016xi32, #tpu.memory_space<hbm>>, %arg3: memref<768x16xf32, #tpu.memory_space<hbm>>, %arg4: memref<6256x16xf32, #tpu.memory_space<hbm>>, %arg5: memref<2x100096x16xf32, #tpu.memory_space<hbm>>, %arg6: memref<100128x16xf32, #tpu.memory_space<vmem_shared>>, %arg7: memref<768xi32, #tpu.memory_space<vmem>>, %arg8: memref<768x16xf32, #tpu.memory_space<vmem>>, %arg9: memref<!tpu.dma_semaphore, #tpu.memory_space<semaphore_mem>>) attributes {dimension_semantics = [#tpu.dimension_semantics<core_parallel>, #tpu.dimension_semantics<subcore_parallel>], iteration_bounds = array<i64: 2, 16>, scalar_prefetch = 0 : i64, scratch_operands = 4 : i64, tpu.core_type = #tpu.core_type<sc_vector_subcore>, window_params = [{transform_indices = #map}, {transform_indices = #map1}, {transform_indices = #map1}, {transform_indices = #map2}]} {
    "tpu.region"() ({
      %run_scoped3A = tpu.sem_alloc : memref<!tpu.dma_semaphore, #tpu.memory_space<semaphore_mem>>
      tpu.enqueue_dma source(%arg3 : memref<768x16xf32, #tpu.memory_space<hbm>>) target(%arg8 : memref<768x16xf32, #tpu.memory_space<vmem>>) target_semaphore(%run_scoped3A : memref<!tpu.dma_semaphore, #tpu.memory_space<semaphore_mem>>)
      tpu.wait_dma2 semaphore(%run_scoped3A : memref<!tpu.dma_semaphore, #tpu.memory_space<semaphore_mem>>) src(%arg3 : memref<768x16xf32, #tpu.memory_space<hbm>>) dst(%arg8 : memref<768x16xf32, #tpu.memory_space<vmem>>)
      tpu.yield
    }) : () -> ()
    %mul3A = arith.constant 6256 : i32
    %mul3A_0 = arith.muli %arg1, %mul3A : i32
    "tpu.region"() ({
      %run_scoped3A = tpu.sem_alloc : memref<!tpu.dma_semaphore, #tpu.memory_space<semaphore_mem>>
      %dma_start3A = arith.constant 0 : i32
      %dma_start3A_15 = tpu.memref_slice %arg6[%mul3A_0, %dma_start3A] : memref<100128x16xf32, #tpu.memory_space<vmem_shared>> -> memref<6256x16xf32, #tpu.memory_space<vmem_shared>>
      tpu.enqueue_dma source(%arg4 : memref<6256x16xf32, #tpu.memory_space<hbm>>) target(%dma_start3A_15 : memref<6256x16xf32, #tpu.memory_space<vmem_shared>>) target_semaphore(%run_scoped3A : memref<!tpu.dma_semaphore, #tpu.memory_space<semaphore_mem>>)
      %dma_wait3A = arith.constant 0 : i32
      %dma_wait3A_16 = tpu.memref_slice %arg6[%mul3A_0, %dma_wait3A] : memref<100128x16xf32, #tpu.memory_space<vmem_shared>> -> memref<6256x16xf32, #tpu.memory_space<vmem_shared>>
      tpu.wait_dma2 semaphore(%run_scoped3A : memref<!tpu.dma_semaphore, #tpu.memory_space<semaphore_mem>>) src(%arg4 : memref<6256x16xf32, #tpu.memory_space<hbm>>) dst(%dma_wait3A_16 : memref<6256x16xf32, #tpu.memory_space<vmem_shared>>)
      tpu.yield
    }) : () -> ()
    %barrier3A = arith.constant 0 : index
    tpu.barrier barrier_id(%barrier3A)
    %mul3A_1 = arith.constant 811008 : i32
    %mul3A_2 = arith.muli %arg0, %mul3A_1 : i32
    %mul3A_3 = arith.constant 50688 : i32
    %mul3A_4 = arith.muli %arg1, %mul3A_3 : i32
    %add3A = arith.addi %mul3A_2, %mul3A_4 : i32
    %scan3A = arith.constant 0 : i32
    %scan3A_5 = arith.constant 0 : i32
    %scan3A_6 = arith.constant 66 : i32
    %scan3A_7 = arith.addi %scan3A_5, %scan3A_6 : i32
    %scan3A_8 = arith.constant 1 : i32
    scf.for %scan3A_15 = %scan3A_5 to %scan3A_7 step %scan3A_8  : i32 {
      %mul3A_16 = arith.constant 768 : i32
      %mul3A_17 = arith.muli %scan3A_15, %mul3A_16 : i32
      %add3A_18 = arith.addi %add3A, %mul3A_17 : i32
      "tpu.region"() ({
        %run_scoped3A = tpu.sem_alloc : memref<!tpu.dma_semaphore, #tpu.memory_space<semaphore_mem>>
        %dma_start3A = tpu.memref_slice %arg2[%add3A_18] : memref<1622016xi32, #tpu.memory_space<hbm>> -> memref<768xi32, #tpu.memory_space<hbm>>
        %dma_start3A_19 = tpu.memref_slice %arg2[%add3A_18] : memref<1622016xi32, #tpu.memory_space<hbm>> -> memref<768xi32, #tpu.memory_space<hbm>>
        tpu.enqueue_dma source(%dma_start3A_19 : memref<768xi32, #tpu.memory_space<hbm>>) target(%arg7 : memref<768xi32, #tpu.memory_space<vmem>>) target_semaphore(%run_scoped3A : memref<!tpu.dma_semaphore, #tpu.memory_space<semaphore_mem>>)
        %dma_wait3A = tpu.memref_slice %arg2[%add3A_18] : memref<1622016xi32, #tpu.memory_space<hbm>> -> memref<768xi32, #tpu.memory_space<hbm>>
        %dma_wait3A_20 = tpu.memref_slice %arg2[%add3A_18] : memref<1622016xi32, #tpu.memory_space<hbm>> -> memref<768xi32, #tpu.memory_space<hbm>>
        tpu.wait_dma2 semaphore(%run_scoped3A : memref<!tpu.dma_semaphore, #tpu.memory_space<semaphore_mem>>) src(%dma_wait3A_20 : memref<768xi32, #tpu.memory_space<hbm>>) dst(%arg7 : memref<768xi32, #tpu.memory_space<vmem>>)
        tpu.yield
      }) : () -> ()
      "tpu.region"() ({
        %run_scoped3A = tpu.sem_alloc : memref<!tpu.dma_semaphore, #tpu.memory_space<semaphore_mem>>
        %dma_start3A = arith.constant 0 : i32
        %dma_start3A_19 = arith.constant 0 : i32
        %dma_start3A_20 = tpu.memref_slice %arg6[%dma_start3A, %dma_start3A_19] : memref<100128x16xf32, #tpu.memory_space<vmem_shared>> -> memref<100128x16xf32, #tpu.memory_space<vmem_shared>>
        tpu.enqueue_indirect_dma source(%arg8 : memref<768x16xf32, #tpu.memory_space<vmem>>) target(%dma_start3A_20 : memref<100128x16xf32, #tpu.memory_space<vmem_shared>>) offsets(%arg7 : memref<768xi32, #tpu.memory_space<vmem>>) semaphore(%run_scoped3A : memref<!tpu.dma_semaphore, #tpu.memory_space<semaphore_mem>>) {add = true}
        %dma_wait3A = arith.constant 0 : i32
        %dma_wait3A_21 = arith.constant 0 : i32
        %dma_wait3A_22 = tpu.memref_slice %arg6[%dma_wait3A, %dma_wait3A_21] : memref<100128x16xf32, #tpu.memory_space<vmem_shared>> -> memref<100128x16xf32, #tpu.memory_space<vmem_shared>>
        tpu.wait_indirect_dma semaphore(%run_scoped3A : memref<!tpu.dma_semaphore, #tpu.memory_space<semaphore_mem>>) src(%arg8 : memref<768x16xf32, #tpu.memory_space<vmem>>) dst(%dma_wait3A_22 : memref<100128x16xf32, #tpu.memory_space<vmem_shared>>)
        tpu.yield
      }) : () -> ()
    }
    %scan3A_9 = arith.constant 66 : i32
    %barrier3A_10 = arith.constant 0 : index
    tpu.barrier barrier_id(%barrier3A_10)
    %mul3A_11 = arith.constant 6256 : i32
    %mul3A_12 = arith.muli %arg1, %mul3A_11 : i32
    %mul3A_13 = arith.constant 6256 : i32
    %mul3A_14 = arith.muli %arg1, %mul3A_13 : i32
    "tpu.region"() ({
      %run_scoped3A = tpu.sem_alloc : memref<!tpu.dma_semaphore, #tpu.memory_space<semaphore_mem>>
      %dma_start3A = arith.constant 0 : i32
      %dma_start3A_15 = arith.constant 0 : i32
      %dma_start3A_16 = tpu.memref_slice %arg5[%arg0, %dma_start3A, %dma_start3A_15] : memref<2x100096x16xf32, #tpu.memory_space<hbm>> -> memref<1x100096x16xf32, #tpu.memory_space<hbm>>
      %dma_start3A_17 = tpu.memref_squeeze %dma_start3A_16 : memref<1x100096x16xf32, #tpu.memory_space<hbm>> -> memref<100096x16xf32, #tpu.memory_space<hbm>>
      %dma_start3A_18 = arith.constant 0 : i32
      %dma_start3A_19 = tpu.memref_slice %dma_start3A_17[%mul3A_14, %dma_start3A_18] : memref<100096x16xf32, #tpu.memory_space<hbm>> -> memref<6256x16xf32, #tpu.memory_space<hbm>>
      %dma_start3A_20 = arith.constant 0 : i32
      %dma_start3A_21 = tpu.memref_slice %arg6[%mul3A_12, %dma_start3A_20] : memref<100128x16xf32, #tpu.memory_space<vmem_shared>> -> memref<6256x16xf32, #tpu.memory_space<vmem_shared>>
      tpu.enqueue_dma source(%dma_start3A_21 : memref<6256x16xf32, #tpu.memory_space<vmem_shared>>) target(%dma_start3A_19 : memref<6256x16xf32, #tpu.memory_space<hbm>>) target_semaphore(%run_scoped3A : memref<!tpu.dma_semaphore, #tpu.memory_space<semaphore_mem>>)
      %dma_wait3A = arith.constant 0 : i32
      %dma_wait3A_22 = arith.constant 0 : i32
      %dma_wait3A_23 = tpu.memref_slice %arg5[%arg0, %dma_wait3A, %dma_wait3A_22] : memref<2x100096x16xf32, #tpu.memory_space<hbm>> -> memref<1x100096x16xf32, #tpu.memory_space<hbm>>
      %dma_wait3A_24 = tpu.memref_squeeze %dma_wait3A_23 : memref<1x100096x16xf32, #tpu.memory_space<hbm>> -> memref<100096x16xf32, #tpu.memory_space<hbm>>
      %dma_wait3A_25 = arith.constant 0 : i32
      %dma_wait3A_26 = tpu.memref_slice %dma_wait3A_24[%mul3A_14, %dma_wait3A_25] : memref<100096x16xf32, #tpu.memory_space<hbm>> -> memref<6256x16xf32, #tpu.memory_space<hbm>>
      %dma_wait3A_27 = arith.constant 0 : i32
      %dma_wait3A_28 = tpu.memref_slice %arg6[%mul3A_12, %dma_wait3A_27] : memref<100128x16xf32, #tpu.memory_space<vmem_shared>> -> memref<6256x16xf32, #tpu.memory_space<vmem_shared>>
      tpu.wait_dma2 semaphore(%run_scoped3A : memref<!tpu.dma_semaphore, #tpu.memory_space<semaphore_mem>>) src(%dma_wait3A_28 : memref<6256x16xf32, #tpu.memory_space<vmem_shared>>) dst(%dma_wait3A_26 : memref<6256x16xf32, #tpu.memory_space<hbm>>)
      tpu.yield
    }) : () -> ()
    return
  }
}

module attributes {stable_mosaic.version = 14 : i64} {
  func.func @_prep_body(%arg0: i32, %arg1: memref<3128x20xf32, #tpu.memory_space<vmem>>, %arg2: memref<2x3128x16xf32, #tpu.memory_space<vmem>>, %arg3: memref<2x3128x16xf32, #tpu.memory_space<vmem>>, %arg4: memref<3128x1xf32, #tpu.memory_space<vmem>>) attributes {dimension_semantics = [#tpu.dimension_semantics<arbitrary>], iteration_bounds = array<i64: 32>, scalar_prefetch = 0 : i64, scratch_operands = 0 : i64, tpu.core_type = #tpu.core_type<tc>, window_params = [{transform_indices = @transform_0, window_bounds = array<i64: 3128, 20>}, {transform_indices = @transform_1, window_bounds = array<i64: 2, 3128, 16>}, {transform_indices = @transform_2, window_bounds = array<i64: 2, 3128, 16>}, {transform_indices = @transform_3, window_bounds = array<i64: 3128, 1>}]} {
    %get3A = arith.constant 0 : index
    %get3A_0 = arith.constant 0 : index
    %get3A_1 = arith.constant 0 : index
    %get3A_2 = vector.load %arg2[%get3A, %get3A_0, %get3A_1] : memref<2x3128x16xf32, #tpu.memory_space<vmem>>, vector<1x3128x16xf32>
    %get3A_3 = vector.shape_cast %get3A_2 : vector<1x3128x16xf32> to vector<3128x16xf32>
    %slice3A = vector.extract_strided_slice %get3A_3 {offsets = [0, 0], sizes = [3128, 1], strides = [1, 1]} : vector<3128x16xf32> to vector<3128x1xf32>
    %get3A_4 = arith.constant 1 : index
    %get3A_5 = arith.constant 0 : index
    %get3A_6 = arith.constant 0 : index
    %get3A_7 = vector.load %arg2[%get3A_4, %get3A_5, %get3A_6] : memref<2x3128x16xf32, #tpu.memory_space<vmem>>, vector<1x3128x16xf32>
    %get3A_8 = vector.shape_cast %get3A_7 : vector<1x3128x16xf32> to vector<3128x16xf32>
    %slice3A_9 = vector.extract_strided_slice %get3A_8 {offsets = [0, 0], sizes = [3128, 1], strides = [1, 1]} : vector<3128x16xf32> to vector<3128x1xf32>
    %add3A = arith.addf %slice3A, %slice3A_9 : vector<3128x1xf32>
    %add3A_10 = arith.constant 1.000000e+00 : f32
    %add3A_11 = vector.broadcast %add3A_10 : f32 to vector<3128x1xf32>
    %add3A_12 = arith.addf %add3A, %add3A_11 : vector<3128x1xf32>
    %rsqrt3A = math.rsqrt %add3A_12 : vector<3128x1xf32>
    %get3A_13 = arith.constant 0 : index
    %get3A_14 = arith.constant 0 : index
    %get3A_15 = vector.load %arg1[%get3A_13, %get3A_14] : memref<3128x20xf32, #tpu.memory_space<vmem>>, vector<3128x20xf32>
    %mul3A = vector.broadcast %rsqrt3A : vector<3128x1xf32> to vector<3128x20xf32>
    %mul3A_16 = arith.mulf %get3A_15, %mul3A : vector<3128x20xf32>
    %slice3A_17 = vector.extract_strided_slice %mul3A_16 {offsets = [0, 0], sizes = [3128, 16], strides = [1, 1]} : vector<3128x20xf32> to vector<3128x16xf32>
    %swap3A = arith.constant 0 : index
    %swap3A_18 = arith.constant 0 : index
    %swap3A_19 = arith.constant 0 : index
    %swap3A_20 = vector.load %arg3[%swap3A, %swap3A_18, %swap3A_19] : memref<2x3128x16xf32, #tpu.memory_space<vmem>>, vector<1x3128x16xf32>
    %swap3A_21 = vector.shape_cast %swap3A_20 : vector<1x3128x16xf32> to vector<3128x16xf32>
    %swap3A_22 = vector.shape_cast %slice3A_17 : vector<3128x16xf32> to vector<1x3128x16xf32>
    tpu.vector_store %arg3[%swap3A, %swap3A_18, %swap3A_19], %swap3A_22 {strides = array<i32>} : memref<2x3128x16xf32, #tpu.memory_space<vmem>>, vector<1x3128x16xf32>,
    %slice3A_23 = vector.extract_strided_slice %mul3A_16 {offsets = [0, 16], sizes = [3128, 4], strides = [1, 1]} : vector<3128x20xf32> to vector<3128x4xf32>
    %broadcast_in_dim3A = arith.constant 0.000000e+00 : f32
    %broadcast_in_dim3A_24 = vector.broadcast %broadcast_in_dim3A : f32 to vector<3128x12xf32>
    %concatenate3A = tpu.concatenate %slice3A_23, %broadcast_in_dim3A_24 in 1 : vector<3128x4xf32>, vector<3128x12xf32> -> vector<3128x16xf32>
    %swap3A_25 = arith.constant 1 : index
    %swap3A_26 = arith.constant 0 : index
    %swap3A_27 = arith.constant 0 : index
    %swap3A_28 = vector.load %arg3[%swap3A_25, %swap3A_26, %swap3A_27] : memref<2x3128x16xf32, #tpu.memory_space<vmem>>, vector<1x3128x16xf32>
    %swap3A_29 = vector.shape_cast %swap3A_28 : vector<1x3128x16xf32> to vector<3128x16xf32>
    %swap3A_30 = vector.shape_cast %concatenate3A : vector<3128x16xf32> to vector<1x3128x16xf32>
    tpu.vector_store %arg3[%swap3A_25, %swap3A_26, %swap3A_27], %swap3A_30 {strides = array<i32>} : memref<2x3128x16xf32, #tpu.memory_space<vmem>>, vector<1x3128x16xf32>,
    %swap3A_31 = arith.constant 0 : index
    %swap3A_32 = arith.constant 0 : index
    %swap3A_33 = vector.load %arg4[%swap3A_31, %swap3A_32] : memref<3128x1xf32, #tpu.memory_space<vmem>>, vector<3128x1xf32>
    tpu.vector_store %arg4[%swap3A_31, %swap3A_32], %rsqrt3A {strides = array<i32>} : memref<3128x1xf32, #tpu.memory_space<vmem>>, vector<3128x1xf32>,
    return
  }
  func.func @transform_0(%arg0: i32) -> (i32, i32) {
    %c0_i32 = arith.constant 0 : i32
    %c0_i32_0 = arith.constant 0 : i32
    return %arg0, %c0_i32 : i32, i32
  }
  func.func @transform_1(%arg0: i32) -> (i32, i32, i32) {
    %c0_i32 = arith.constant 0 : i32
    %c0_i32_0 = arith.constant 0 : i32
    %c0_i32_1 = arith.constant 0 : i32
    return %c0_i32, %arg0, %c0_i32_0 : i32, i32, i32
  }
  func.func @transform_2(%arg0: i32) -> (i32, i32, i32) {
    %c0_i32 = arith.constant 0 : i32
    %c0_i32_0 = arith.constant 0 : i32
    %c0_i32_1 = arith.constant 0 : i32
    return %c0_i32, %arg0, %c0_i32_0 : i32, i32, i32
  }
  func.func @transform_3(%arg0: i32) -> (i32, i32) {
    %c0_i32 = arith.constant 0 : i32
    %c0_i32_0 = arith.constant 0 : i32
    return %arg0, %c0_i32 : i32, i32
  }
}

module attributes {stable_mosaic.version = 14 : i64} {
  func.func @_mm_body(%arg0: i32, %arg1: memref<32x64xf32, #tpu.memory_space<vmem>>, %arg2: memref<1x64xf32, #tpu.memory_space<vmem>>, %arg3: memref<3128x1xf32, #tpu.memory_space<vmem>>, %arg4: memref<2x3128x16xf32, #tpu.memory_space<vmem>>, %arg5: memref<4x3128x16xf32, #tpu.memory_space<vmem>>) attributes {dimension_semantics = [#tpu.dimension_semantics<arbitrary>], iteration_bounds = array<i64: 32>, scalar_prefetch = 0 : i64, scratch_operands = 0 : i64, tpu.core_type = #tpu.core_type<tc>, window_params = [{pipeline_mode = #tpu.pipeline_mode<synchronous>, transform_indices = @transform_0, window_bounds = array<i64: 32, 64>}, {pipeline_mode = #tpu.pipeline_mode<synchronous>, transform_indices = @transform_1, window_bounds = array<i64: 1, 64>}, {transform_indices = @transform_2, window_bounds = array<i64: 3128, 1>}, {transform_indices = @transform_3, window_bounds = array<i64: 2, 3128, 16>}, {transform_indices = @transform_4, window_bounds = array<i64: 4, 3128, 16>}]} {
    %get3A = arith.constant 0 : index
    %get3A_0 = arith.constant 0 : index
    %get3A_1 = arith.constant 0 : index
    %get3A_2 = vector.load %arg4[%get3A, %get3A_0, %get3A_1] : memref<2x3128x16xf32, #tpu.memory_space<vmem>>, vector<1x3128x16xf32>
    %get3A_3 = vector.shape_cast %get3A_2 : vector<1x3128x16xf32> to vector<3128x16xf32>
    %get3A_4 = arith.constant 1 : index
    %get3A_5 = arith.constant 0 : index
    %get3A_6 = arith.constant 0 : index
    %get3A_7 = vector.load %arg4[%get3A_4, %get3A_5, %get3A_6] : memref<2x3128x16xf32, #tpu.memory_space<vmem>>, vector<1x3128x16xf32>
    %get3A_8 = vector.shape_cast %get3A_7 : vector<1x3128x16xf32> to vector<3128x16xf32>
    %concatenate3A = tpu.concatenate %get3A_3, %get3A_8 in 1 : vector<3128x16xf32>, vector<3128x16xf32> -> vector<3128x32xf32>
    %get3A_9 = arith.constant 0 : index
    %get3A_10 = arith.constant 0 : index
    %get3A_11 = vector.load %arg3[%get3A_9, %get3A_10] : memref<3128x1xf32, #tpu.memory_space<vmem>>, vector<3128x1xf32>
    %mul3A = vector.broadcast %get3A_11 : vector<3128x1xf32> to vector<3128x32xf32>
    %mul3A_12 = arith.mulf %concatenate3A, %mul3A : vector<3128x32xf32>
    %get3A_13 = arith.constant 0 : index
    %get3A_14 = arith.constant 0 : index
    %get3A_15 = vector.load %arg1[%get3A_13, %get3A_14] : memref<32x64xf32, #tpu.memory_space<vmem>>, vector<32x64xf32>
    %dot_general3A = arith.constant dense<0.000000e+00> : vector<3128x64xf32>
    %dot_general3A_16 = tpu.matmul %mul3A_12, %get3A_15, %dot_general3A {dimension_numbers = #tpu.dot_dimension_numbers<[1], [0], [0], [1], [0, 0, 1, 1], [], []>, transpose_lhs_hint = false} : vector<3128x32xf32>, vector<32x64xf32>, vector<3128x64xf32> -> vector<3128x64xf32>
    %get3A_17 = arith.constant 0 : index
    %get3A_18 = arith.constant 0 : index
    %get3A_19 = vector.load %arg2[%get3A_17, %get3A_18] : memref<1x64xf32, #tpu.memory_space<vmem>>, vector<1x64xf32>
    %add3A = vector.broadcast %get3A_19 : vector<1x64xf32> to vector<3128x64xf32>
    %add3A_20 = arith.addf %dot_general3A_16, %add3A : vector<3128x64xf32>
    %max3A = arith.constant 0.000000e+00 : f32
    %max3A_21 = vector.broadcast %max3A : f32 to vector<3128x64xf32>
    %max3A_22 = arith.maximumf %add3A_20, %max3A_21 : vector<3128x64xf32>
    %mul3A_23 = vector.broadcast %get3A_11 : vector<3128x1xf32> to vector<3128x64xf32>
    %mul3A_24 = arith.mulf %max3A_22, %mul3A_23 : vector<3128x64xf32>
    %slice3A = vector.extract_strided_slice %mul3A_24 {offsets = [0, 0], sizes = [3128, 16], strides = [1, 1]} : vector<3128x64xf32> to vector<3128x16xf32>
    %swap3A = arith.constant 0 : index
    %swap3A_25 = arith.constant 0 : index
    %swap3A_26 = arith.constant 0 : index
    %swap3A_27 = vector.load %arg5[%swap3A, %swap3A_25, %swap3A_26] : memref<4x3128x16xf32, #tpu.memory_space<vmem>>, vector<1x3128x16xf32>
    %swap3A_28 = vector.shape_cast %swap3A_27 : vector<1x3128x16xf32> to vector<3128x16xf32>
    %swap3A_29 = vector.shape_cast %slice3A : vector<3128x16xf32> to vector<1x3128x16xf32>
    tpu.vector_store %arg5[%swap3A, %swap3A_25, %swap3A_26], %swap3A_29 {strides = array<i32>} : memref<4x3128x16xf32, #tpu.memory_space<vmem>>, vector<1x3128x16xf32>,
    %slice3A_30 = vector.extract_strided_slice %mul3A_24 {offsets = [0, 16], sizes = [3128, 16], strides = [1, 1]} : vector<3128x64xf32> to vector<3128x16xf32>
    %swap3A_31 = arith.constant 1 : index
    %swap3A_32 = arith.constant 0 : index
    %swap3A_33 = arith.constant 0 : index
    %swap3A_34 = vector.load %arg5[%swap3A_31, %swap3A_32, %swap3A_33] : memref<4x3128x16xf32, #tpu.memory_space<vmem>>, vector<1x3128x16xf32>
    %swap3A_35 = vector.shape_cast %swap3A_34 : vector<1x3128x16xf32> to vector<3128x16xf32>
    %swap3A_36 = vector.shape_cast %slice3A_30 : vector<3128x16xf32> to vector<1x3128x16xf32>
    tpu.vector_store %arg5[%swap3A_31, %swap3A_32, %swap3A_33], %swap3A_36 {strides = array<i32>} : memref<4x3128x16xf32, #tpu.memory_space<vmem>>, vector<1x3128x16xf32>,
    %slice3A_37 = vector.extract_strided_slice %mul3A_24 {offsets = [0, 32], sizes = [3128, 16], strides = [1, 1]} : vector<3128x64xf32> to vector<3128x16xf32>
    %swap3A_38 = arith.constant 2 : index
    %swap3A_39 = arith.constant 0 : index
    %swap3A_40 = arith.constant 0 : index
    %swap3A_41 = vector.load %arg5[%swap3A_38, %swap3A_39, %swap3A_40] : memref<4x3128x16xf32, #tpu.memory_space<vmem>>, vector<1x3128x16xf32>
    %swap3A_42 = vector.shape_cast %swap3A_41 : vector<1x3128x16xf32> to vector<3128x16xf32>
    %swap3A_43 = vector.shape_cast %slice3A_37 : vector<3128x16xf32> to vector<1x3128x16xf32>
    tpu.vector_store %arg5[%swap3A_38, %swap3A_39, %swap3A_40], %swap3A_43 {strides = array<i32>} : memref<4x3128x16xf32, #tpu.memory_space<vmem>>, vector<1x3128x16xf32>,
    %slice3A_44 = vector.extract_strided_slice %mul3A_24 {offsets = [0, 48], sizes = [3128, 16], strides = [1, 1]} : vector<3128x64xf32> to vector<3128x16xf32>
    %swap3A_45 = arith.constant 3 : index
    %swap3A_46 = arith.constant 0 : index
    %swap3A_47 = arith.constant 0 : index
    %swap3A_48 = vector.load %arg5[%swap3A_45, %swap3A_46, %swap3A_47] : memref<4x3128x16xf32, #tpu.memory_space<vmem>>, vector<1x3128x16xf32>
    %swap3A_49 = vector.shape_cast %swap3A_48 : vector<1x3128x16xf32> to vector<3128x16xf32>
    %swap3A_50 = vector.shape_cast %slice3A_44 : vector<3128x16xf32> to vector<1x3128x16xf32>
    tpu.vector_store %arg5[%swap3A_45, %swap3A_46, %swap3A_47], %swap3A_50 {strides = array<i32>} : memref<4x3128x16xf32, #tpu.memory_space<vmem>>, vector<1x3128x16xf32>,
    return
  }
  func.func @transform_0(%arg0: i32) -> (i32, i32) {
    %c0_i32 = arith.constant 0 : i32
    %c0_i32_0 = arith.constant 0 : i32
    %c0_i32_1 = arith.constant 0 : i32
    return %c0_i32, %c0_i32_0 : i32, i32
  }
  func.func @transform_1(%arg0: i32) -> (i32, i32) {
    %c0_i32 = arith.constant 0 : i32
    %c0_i32_0 = arith.constant 0 : i32
    %c0_i32_1 = arith.constant 0 : i32
    return %c0_i32, %c0_i32_0 : i32, i32
  }
  func.func @transform_2(%arg0: i32) -> (i32, i32) {
    %c0_i32 = arith.constant 0 : i32
    %c0_i32_0 = arith.constant 0 : i32
    return %arg0, %c0_i32 : i32, i32
  }
  func.func @transform_3(%arg0: i32) -> (i32, i32, i32) {
    %c0_i32 = arith.constant 0 : i32
    %c0_i32_0 = arith.constant 0 : i32
    %c0_i32_1 = arith.constant 0 : i32
    return %c0_i32, %arg0, %c0_i32_0 : i32, i32, i32
  }
  func.func @transform_4(%arg0: i32) -> (i32, i32, i32) {
    %c0_i32 = arith.constant 0 : i32
    %c0_i32_0 = arith.constant 0 : i32
    %c0_i32_1 = arith.constant 0 : i32
    return %c0_i32, %arg0, %c0_i32_0 : i32, i32, i32
  }
}

module attributes {stable_mosaic.version = 14 : i64} {
  func.func @_mm_body(%arg0: i32, %arg1: memref<64x64xf32, #tpu.memory_space<vmem>>, %arg2: memref<1x64xf32, #tpu.memory_space<vmem>>, %arg3: memref<3128x1xf32, #tpu.memory_space<vmem>>, %arg4: memref<4x3128x16xf32, #tpu.memory_space<vmem>>, %arg5: memref<4x3128x16xf32, #tpu.memory_space<vmem>>) attributes {dimension_semantics = [#tpu.dimension_semantics<arbitrary>], iteration_bounds = array<i64: 32>, scalar_prefetch = 0 : i64, scratch_operands = 0 : i64, tpu.core_type = #tpu.core_type<tc>, window_params = [{pipeline_mode = #tpu.pipeline_mode<synchronous>, transform_indices = @transform_0, window_bounds = array<i64: 64, 64>}, {pipeline_mode = #tpu.pipeline_mode<synchronous>, transform_indices = @transform_1, window_bounds = array<i64: 1, 64>}, {transform_indices = @transform_2, window_bounds = array<i64: 3128, 1>}, {transform_indices = @transform_3, window_bounds = array<i64: 4, 3128, 16>}, {transform_indices = @transform_4, window_bounds = array<i64: 4, 3128, 16>}]} {
    %get3A = arith.constant 0 : index
    %get3A_0 = arith.constant 0 : index
    %get3A_1 = arith.constant 0 : index
    %get3A_2 = vector.load %arg4[%get3A, %get3A_0, %get3A_1] : memref<4x3128x16xf32, #tpu.memory_space<vmem>>, vector<1x3128x16xf32>
    %get3A_3 = vector.shape_cast %get3A_2 : vector<1x3128x16xf32> to vector<3128x16xf32>
    %get3A_4 = arith.constant 1 : index
    %get3A_5 = arith.constant 0 : index
    %get3A_6 = arith.constant 0 : index
    %get3A_7 = vector.load %arg4[%get3A_4, %get3A_5, %get3A_6] : memref<4x3128x16xf32, #tpu.memory_space<vmem>>, vector<1x3128x16xf32>
    %get3A_8 = vector.shape_cast %get3A_7 : vector<1x3128x16xf32> to vector<3128x16xf32>
    %get3A_9 = arith.constant 2 : index
    %get3A_10 = arith.constant 0 : index
    %get3A_11 = arith.constant 0 : index
    %get3A_12 = vector.load %arg4[%get3A_9, %get3A_10, %get3A_11] : memref<4x3128x16xf32, #tpu.memory_space<vmem>>, vector<1x3128x16xf32>
    %get3A_13 = vector.shape_cast %get3A_12 : vector<1x3128x16xf32> to vector<3128x16xf32>
    %get3A_14 = arith.constant 3 : index
    %get3A_15 = arith.constant 0 : index
    %get3A_16 = arith.constant 0 : index
    %get3A_17 = vector.load %arg4[%get3A_14, %get3A_15, %get3A_16] : memref<4x3128x16xf32, #tpu.memory_space<vmem>>, vector<1x3128x16xf32>
    %get3A_18 = vector.shape_cast %get3A_17 : vector<1x3128x16xf32> to vector<3128x16xf32>
    %concatenate3A = tpu.concatenate %get3A_3, %get3A_8, %get3A_13, %get3A_18 in 1 : vector<3128x16xf32>, vector<3128x16xf32>, vector<3128x16xf32>, vector<3128x16xf32> -> vector<3128x64xf32>
    %get3A_19 = arith.constant 0 : index
    %get3A_20 = arith.constant 0 : index
    %get3A_21 = vector.load %arg3[%get3A_19, %get3A_20] : memref<3128x1xf32, #tpu.memory_space<vmem>>, vector<3128x1xf32>
    %mul3A = vector.broadcast %get3A_21 : vector<3128x1xf32> to vector<3128x64xf32>
    %mul3A_22 = arith.mulf %concatenate3A, %mul3A : vector<3128x64xf32>
    %get3A_23 = arith.constant 0 : index
    %get3A_24 = arith.constant 0 : index
    %get3A_25 = vector.load %arg1[%get3A_23, %get3A_24] : memref<64x64xf32, #tpu.memory_space<vmem>>, vector<64x64xf32>
    %dot_general3A = arith.constant dense<0.000000e+00> : vector<3128x64xf32>
    %dot_general3A_26 = tpu.matmul %mul3A_22, %get3A_25, %dot_general3A {dimension_numbers = #tpu.dot_dimension_numbers<[1], [0], [0], [1], [0, 0, 1, 1], [], []>, transpose_lhs_hint = false} : vector<3128x64xf32>, vector<64x64xf32>, vector<3128x64xf32> -> vector<3128x64xf32>
    %get3A_27 = arith.constant 0 : index
    %get3A_28 = arith.constant 0 : index
    %get3A_29 = vector.load %arg2[%get3A_27, %get3A_28] : memref<1x64xf32, #tpu.memory_space<vmem>>, vector<1x64xf32>
    %add3A = vector.broadcast %get3A_29 : vector<1x64xf32> to vector<3128x64xf32>
    %add3A_30 = arith.addf %dot_general3A_26, %add3A : vector<3128x64xf32>
    %max3A = arith.constant 0.000000e+00 : f32
    %max3A_31 = vector.broadcast %max3A : f32 to vector<3128x64xf32>
    %max3A_32 = arith.maximumf %add3A_30, %max3A_31 : vector<3128x64xf32>
    %mul3A_33 = vector.broadcast %get3A_21 : vector<3128x1xf32> to vector<3128x64xf32>
    %mul3A_34 = arith.mulf %max3A_32, %mul3A_33 : vector<3128x64xf32>
    %slice3A = vector.extract_strided_slice %mul3A_34 {offsets = [0, 0], sizes = [3128, 16], strides = [1, 1]} : vector<3128x64xf32> to vector<3128x16xf32>
    %swap3A = arith.constant 0 : index
    %swap3A_35 = arith.constant 0 : index
    %swap3A_36 = arith.constant 0 : index
    %swap3A_37 = vector.load %arg5[%swap3A, %swap3A_35, %swap3A_36] : memref<4x3128x16xf32, #tpu.memory_space<vmem>>, vector<1x3128x16xf32>
    %swap3A_38 = vector.shape_cast %swap3A_37 : vector<1x3128x16xf32> to vector<3128x16xf32>
    %swap3A_39 = vector.shape_cast %slice3A : vector<3128x16xf32> to vector<1x3128x16xf32>
    tpu.vector_store %arg5[%swap3A, %swap3A_35, %swap3A_36], %swap3A_39 {strides = array<i32>} : memref<4x3128x16xf32, #tpu.memory_space<vmem>>, vector<1x3128x16xf32>,
    %slice3A_40 = vector.extract_strided_slice %mul3A_34 {offsets = [0, 16], sizes = [3128, 16], strides = [1, 1]} : vector<3128x64xf32> to vector<3128x16xf32>
    %swap3A_41 = arith.constant 1 : index
    %swap3A_42 = arith.constant 0 : index
    %swap3A_43 = arith.constant 0 : index
    %swap3A_44 = vector.load %arg5[%swap3A_41, %swap3A_42, %swap3A_43] : memref<4x3128x16xf32, #tpu.memory_space<vmem>>, vector<1x3128x16xf32>
    %swap3A_45 = vector.shape_cast %swap3A_44 : vector<1x3128x16xf32> to vector<3128x16xf32>
    %swap3A_46 = vector.shape_cast %slice3A_40 : vector<3128x16xf32> to vector<1x3128x16xf32>
    tpu.vector_store %arg5[%swap3A_41, %swap3A_42, %swap3A_43], %swap3A_46 {strides = array<i32>} : memref<4x3128x16xf32, #tpu.memory_space<vmem>>, vector<1x3128x16xf32>,
    %slice3A_47 = vector.extract_strided_slice %mul3A_34 {offsets = [0, 32], sizes = [3128, 16], strides = [1, 1]} : vector<3128x64xf32> to vector<3128x16xf32>
    %swap3A_48 = arith.constant 2 : index
    %swap3A_49 = arith.constant 0 : index
    %swap3A_50 = arith.constant 0 : index
    %swap3A_51 = vector.load %arg5[%swap3A_48, %swap3A_49, %swap3A_50] : memref<4x3128x16xf32, #tpu.memory_space<vmem>>, vector<1x3128x16xf32>
    %swap3A_52 = vector.shape_cast %swap3A_51 : vector<1x3128x16xf32> to vector<3128x16xf32>
    %swap3A_53 = vector.shape_cast %slice3A_47 : vector<3128x16xf32> to vector<1x3128x16xf32>
    tpu.vector_store %arg5[%swap3A_48, %swap3A_49, %swap3A_50], %swap3A_53 {strides = array<i32>} : memref<4x3128x16xf32, #tpu.memory_space<vmem>>, vector<1x3128x16xf32>,
    %slice3A_54 = vector.extract_strided_slice %mul3A_34 {offsets = [0, 48], sizes = [3128, 16], strides = [1, 1]} : vector<3128x64xf32> to vector<3128x16xf32>
    %swap3A_55 = arith.constant 3 : index
    %swap3A_56 = arith.constant 0 : index
    %swap3A_57 = arith.constant 0 : index
    %swap3A_58 = vector.load %arg5[%swap3A_55, %swap3A_56, %swap3A_57] : memref<4x3128x16xf32, #tpu.memory_space<vmem>>, vector<1x3128x16xf32>
    %swap3A_59 = vector.shape_cast %swap3A_58 : vector<1x3128x16xf32> to vector<3128x16xf32>
    %swap3A_60 = vector.shape_cast %slice3A_54 : vector<3128x16xf32> to vector<1x3128x16xf32>
    tpu.vector_store %arg5[%swap3A_55, %swap3A_56, %swap3A_57], %swap3A_60 {strides = array<i32>} : memref<4x3128x16xf32, #tpu.memory_space<vmem>>, vector<1x3128x16xf32>,
    return
  }
  func.func @transform_0(%arg0: i32) -> (i32, i32) {
    %c0_i32 = arith.constant 0 : i32
    %c0_i32_0 = arith.constant 0 : i32
    %c0_i32_1 = arith.constant 0 : i32
    return %c0_i32, %c0_i32_0 : i32, i32
  }
  func.func @transform_1(%arg0: i32) -> (i32, i32) {
    %c0_i32 = arith.constant 0 : i32
    %c0_i32_0 = arith.constant 0 : i32
    %c0_i32_1 = arith.constant 0 : i32
    return %c0_i32, %c0_i32_0 : i32, i32
  }
  func.func @transform_2(%arg0: i32) -> (i32, i32) {
    %c0_i32 = arith.constant 0 : i32
    %c0_i32_0 = arith.constant 0 : i32
    return %arg0, %c0_i32 : i32, i32
  }
  func.func @transform_3(%arg0: i32) -> (i32, i32, i32) {
    %c0_i32 = arith.constant 0 : i32
    %c0_i32_0 = arith.constant 0 : i32
    %c0_i32_1 = arith.constant 0 : i32
    return %c0_i32, %arg0, %c0_i32_0 : i32, i32, i32
  }
  func.func @transform_4(%arg0: i32) -> (i32, i32, i32) {
    %c0_i32 = arith.constant 0 : i32
    %c0_i32_0 = arith.constant 0 : i32
    %c0_i32_1 = arith.constant 0 : i32
    return %c0_i32, %arg0, %c0_i32_0 : i32, i32, i32
  }
}

module attributes {stable_mosaic.version = 14 : i64} {
  func.func @_final_body(%arg0: i32, %arg1: memref<3128x1xi32, #tpu.memory_space<vmem>>, %arg2: memref<3128x1xf32, #tpu.memory_space<vmem>>, %arg3: memref<64x128xf32, #tpu.memory_space<vmem>>, %arg4: memref<1x128xf32, #tpu.memory_space<vmem>>, %arg5: memref<128x14xf32, #tpu.memory_space<vmem>>, %arg6: memref<1x14xf32, #tpu.memory_space<vmem>>, %arg7: memref<4x3128x16xf32, #tpu.memory_space<vmem>>, %arg8: memref<512x14xf32, #tpu.memory_space<vmem>>, %arg9: memref<512x64xf32, #tpu.memory_space<vmem>>, %arg10: memref<512x1xf32, #tpu.memory_space<vmem>>) attributes {dimension_semantics = [#tpu.dimension_semantics<arbitrary>], iteration_bounds = array<i64: 32>, scalar_prefetch = 0 : i64, scratch_operands = 2 : i64, tpu.core_type = #tpu.core_type<tc>, window_params = [{transform_indices = @transform_0, window_bounds = array<i64: 3128, 1>}, {transform_indices = @transform_1, window_bounds = array<i64: 3128, 1>}, {pipeline_mode = #tpu.pipeline_mode<synchronous>, transform_indices = @transform_2, window_bounds = array<i64: 64, 128>}, {pipeline_mode = #tpu.pipeline_mode<synchronous>, transform_indices = @transform_3, window_bounds = array<i64: 1, 128>}, {pipeline_mode = #tpu.pipeline_mode<synchronous>, transform_indices = @transform_4, window_bounds = array<i64: 128, 14>}, {pipeline_mode = #tpu.pipeline_mode<synchronous>, transform_indices = @transform_5, window_bounds = array<i64: 1, 14>}, {transform_indices = @transform_6, window_bounds = array<i64: 4, 3128, 16>}, {pipeline_mode = #tpu.pipeline_mode<synchronous>, transform_indices = @transform_7, window_bounds = array<i64: 512, 14>}]} {
    %eq3A = arith.constant 0 : i32
    %eq3A_0 = arith.cmpi eq, %arg0, %eq3A : i32
    %convert_element_type3A = arith.extui %eq3A_0 : i1 to i32
    %cond3A = arith.constant 0 : i32
    %cond3A_1 = arith.cmpi ne, %convert_element_type3A, %cond3A : i32
    scf.if %cond3A_1 {
      %broadcast_in_dim3A_61 = arith.constant 0.000000e+00 : f32
      %broadcast_in_dim3A_62 = vector.broadcast %broadcast_in_dim3A_61 : f32 to vector<512x64xf32>
      %swap3A_63 = arith.constant 0 : index
      %swap3A_64 = arith.constant 0 : index
      %swap3A_65 = vector.load %arg9[%swap3A_63, %swap3A_64] : memref<512x64xf32, #tpu.memory_space<vmem>>, vector<512x64xf32>
      tpu.vector_store %arg9[%swap3A_63, %swap3A_64], %broadcast_in_dim3A_62 {strides = array<i32>} : memref<512x64xf32, #tpu.memory_space<vmem>>, vector<512x64xf32>,
      %broadcast_in_dim3A_66 = arith.constant 0.000000e+00 : f32
      %broadcast_in_dim3A_67 = vector.broadcast %broadcast_in_dim3A_66 : f32 to vector<512x1xf32>
      %swap3A_68 = arith.constant 0 : index
      %swap3A_69 = arith.constant 0 : index
      %swap3A_70 = vector.load %arg10[%swap3A_68, %swap3A_69] : memref<512x1xf32, #tpu.memory_space<vmem>>, vector<512x1xf32>
      tpu.vector_store %arg10[%swap3A_68, %swap3A_69], %broadcast_in_dim3A_67 {strides = array<i32>} : memref<512x1xf32, #tpu.memory_space<vmem>>, vector<512x1xf32>,
    } else {
    }
    %get3A = arith.constant 0 : index
    %get3A_2 = arith.constant 0 : index
    %get3A_3 = arith.constant 0 : index
    %get3A_4 = vector.load %arg7[%get3A, %get3A_2, %get3A_3] : memref<4x3128x16xf32, #tpu.memory_space<vmem>>, vector<1x3128x16xf32>
    %get3A_5 = vector.shape_cast %get3A_4 : vector<1x3128x16xf32> to vector<3128x16xf32>
    %get3A_6 = arith.constant 1 : index
    %get3A_7 = arith.constant 0 : index
    %get3A_8 = arith.constant 0 : index
    %get3A_9 = vector.load %arg7[%get3A_6, %get3A_7, %get3A_8] : memref<4x3128x16xf32, #tpu.memory_space<vmem>>, vector<1x3128x16xf32>
    %get3A_10 = vector.shape_cast %get3A_9 : vector<1x3128x16xf32> to vector<3128x16xf32>
    %get3A_11 = arith.constant 2 : index
    %get3A_12 = arith.constant 0 : index
    %get3A_13 = arith.constant 0 : index
    %get3A_14 = vector.load %arg7[%get3A_11, %get3A_12, %get3A_13] : memref<4x3128x16xf32, #tpu.memory_space<vmem>>, vector<1x3128x16xf32>
    %get3A_15 = vector.shape_cast %get3A_14 : vector<1x3128x16xf32> to vector<3128x16xf32>
    %get3A_16 = arith.constant 3 : index
    %get3A_17 = arith.constant 0 : index
    %get3A_18 = arith.constant 0 : index
    %get3A_19 = vector.load %arg7[%get3A_16, %get3A_17, %get3A_18] : memref<4x3128x16xf32, #tpu.memory_space<vmem>>, vector<1x3128x16xf32>
    %get3A_20 = vector.shape_cast %get3A_19 : vector<1x3128x16xf32> to vector<3128x16xf32>
    %concatenate3A = tpu.concatenate %get3A_5, %get3A_10, %get3A_15, %get3A_20 in 1 : vector<3128x16xf32>, vector<3128x16xf32>, vector<3128x16xf32>, vector<3128x16xf32> -> vector<3128x64xf32>
    %get3A_21 = arith.constant 0 : index
    %get3A_22 = arith.constant 0 : index
    %get3A_23 = vector.load %arg2[%get3A_21, %get3A_22] : memref<3128x1xf32, #tpu.memory_space<vmem>>, vector<3128x1xf32>
    %mul3A = vector.broadcast %get3A_23 : vector<3128x1xf32> to vector<3128x64xf32>
    %mul3A_24 = arith.mulf %concatenate3A, %mul3A : vector<3128x64xf32>
    %get3A_25 = arith.constant 0 : index
    %get3A_26 = arith.constant 0 : index
    %get3A_27 = vector.load %arg1[%get3A_25, %get3A_26] : memref<3128x1xi32, #tpu.memory_space<vmem>>, vector<3128x1xi32>
    %iota3A = tpu.iota {dimensions = array<i32: 1>} : vector<3128x512xi32>
    %iota3A_28 = tpu.iota {dimensions = array<i32: 0>} : vector<3128x1xi32>
    %mul3A_29 = arith.constant 3128 : i32
    %mul3A_30 = arith.muli %arg0, %mul3A_29 : i32
    %add3A = vector.broadcast %mul3A_30 : i32 to vector<3128x1xi32>
    %add3A_31 = arith.addi %iota3A_28, %add3A : vector<3128x1xi32>
    %eq3A_32 = vector.broadcast %get3A_27 : vector<3128x1xi32> to vector<3128x512xi32>
    %eq3A_33 = arith.cmpi eq, %eq3A_32, %iota3A : vector<3128x512xi32>
    %lt3A = arith.constant 100000 : i32
    %lt3A_34 = vector.broadcast %lt3A : i32 to vector<3128x1xi32>
    %lt3A_35 = arith.cmpi slt, %add3A_31, %lt3A_34 : vector<3128x1xi32>
    %and3A = vector.broadcast %lt3A_35 : vector<3128x1xi1> to vector<3128x512xi1>
    %and3A_36 = arith.andi %eq3A_33, %and3A : vector<3128x512xi1>
    %convert_element_type3A_37 = arith.extui %and3A_36 : vector<3128x512xi1> to vector<3128x512xi32>
    %convert_element_type3A_38 = arith.sitofp %convert_element_type3A_37 : vector<3128x512xi32> to vector<3128x512xf32>
    %get3A_39 = arith.constant 0 : index
    %get3A_40 = arith.constant 0 : index
    %get3A_41 = vector.load %arg9[%get3A_39, %get3A_40] : memref<512x64xf32, #tpu.memory_space<vmem>>, vector<512x64xf32>
    %dot_general3A = arith.constant dense<0.000000e+00> : vector<512x64xf32>
    %dot_general3A_42 = tpu.matmul %convert_element_type3A_38, %mul3A_24, %dot_general3A {dimension_numbers = #tpu.dot_dimension_numbers<[0], [0], [1], [1], [0, 1, 1, 1], [], []>, transpose_lhs_hint = false} : vector<3128x512xf32>, vector<3128x64xf32>, vector<512x64xf32> -> vector<512x64xf32>
    %add3A_43 = arith.addf %get3A_41, %dot_general3A_42 : vector<512x64xf32>
    %swap3A = arith.constant 0 : index
    %swap3A_44 = arith.constant 0 : index
    %swap3A_45 = vector.load %arg9[%swap3A, %swap3A_44] : memref<512x64xf32, #tpu.memory_space<vmem>>, vector<512x64xf32>
    tpu.vector_store %arg9[%swap3A, %swap3A_44], %add3A_43 {strides = array<i32>} : memref<512x64xf32, #tpu.memory_space<vmem>>, vector<512x64xf32>,
    %get3A_46 = arith.constant 0 : index
    %get3A_47 = arith.constant 0 : index
    %get3A_48 = vector.load %arg10[%get3A_46, %get3A_47] : memref<512x1xf32, #tpu.memory_space<vmem>>, vector<512x1xf32>
    %broadcast_in_dim3A = arith.constant 1.000000e+00 : f32
    %broadcast_in_dim3A_49 = vector.broadcast %broadcast_in_dim3A : f32 to vector<3128x1xf32>
    %dot_general3A_50 = arith.constant dense<0.000000e+00> : vector<512x1xf32>
    %dot_general3A_51 = tpu.matmul %convert_element_type3A_38, %broadcast_in_dim3A_49, %dot_general3A_50 {dimension_numbers = #tpu.dot_dimension_numbers<[0], [0], [1], [1], [0, 1, 1, 1], [], []>, transpose_lhs_hint = false} : vector<3128x512xf32>, vector<3128x1xf32>, vector<512x1xf32> -> vector<512x1xf32>
    %add3A_52 = arith.addf %get3A_48, %dot_general3A_51 : vector<512x1xf32>
    %swap3A_53 = arith.constant 0 : index
    %swap3A_54 = arith.constant 0 : index
    %swap3A_55 = vector.load %arg10[%swap3A_53, %swap3A_54] : memref<512x1xf32, #tpu.memory_space<vmem>>, vector<512x1xf32>
    tpu.vector_store %arg10[%swap3A_53, %swap3A_54], %add3A_52 {strides = array<i32>} : memref<512x1xf32, #tpu.memory_space<vmem>>, vector<512x1xf32>,
    %eq3A_56 = arith.constant 31 : i32
    %eq3A_57 = arith.cmpi eq, %arg0, %eq3A_56 : i32
    %convert_element_type3A_58 = arith.extui %eq3A_57 : i1 to i32
    %cond3A_59 = arith.constant 0 : i32
    %cond3A_60 = arith.cmpi ne, %convert_element_type3A_58, %cond3A_59 : i32
    scf.if %cond3A_60 {
      %get3A_61 = arith.constant 0 : index
      %get3A_62 = arith.constant 0 : index
      %get3A_63 = vector.load %arg10[%get3A_61, %get3A_62] : memref<512x1xf32, #tpu.memory_space<vmem>>, vector<512x1xf32>
      %get3A_64 = arith.constant 0 : index
      %get3A_65 = arith.constant 0 : index
      %get3A_66 = vector.load %arg9[%get3A_64, %get3A_65] : memref<512x64xf32, #tpu.memory_space<vmem>>, vector<512x64xf32>
      %max3A = arith.constant 1.000000e+00 : f32
      %max3A_67 = vector.broadcast %max3A : f32 to vector<512x1xf32>
      %max3A_68 = arith.maximumf %get3A_63, %max3A_67 : vector<512x1xf32>
      %div3A = vector.broadcast %max3A_68 : vector<512x1xf32> to vector<512x64xf32>
      %div3A_69 = arith.divf %get3A_66, %div3A : vector<512x64xf32>
      %gt3A = arith.constant 0.000000e+00 : f32
      %gt3A_70 = vector.broadcast %gt3A : f32 to vector<512x1xf32>
      %gt3A_71 = arith.cmpf ogt, %get3A_63, %gt3A_70 : vector<512x1xf32>
      %convert_element_type3A_72 = arith.extui %gt3A_71 : vector<512x1xi1> to vector<512x1xi32>
      %convert_element_type3A_73 = arith.sitofp %convert_element_type3A_72 : vector<512x1xi32> to vector<512x1xf32>
      %get3A_74 = arith.constant 0 : index
      %get3A_75 = arith.constant 0 : index
      %get3A_76 = vector.load %arg3[%get3A_74, %get3A_75] : memref<64x128xf32, #tpu.memory_space<vmem>>, vector<64x128xf32>
      %dot_general3A_77 = arith.constant dense<0.000000e+00> : vector<512x128xf32>
      %dot_general3A_78 = tpu.matmul %div3A_69, %get3A_76, %dot_general3A_77 {dimension_numbers = #tpu.dot_dimension_numbers<[1], [0], [0], [1], [0, 0, 1, 1], [], []>, transpose_lhs_hint = false} : vector<512x64xf32>, vector<64x128xf32>, vector<512x128xf32> -> vector<512x128xf32>
      %get3A_79 = arith.constant 0 : index
      %get3A_80 = arith.constant 0 : index
      %get3A_81 = vector.load %arg4[%get3A_79, %get3A_80] : memref<1x128xf32, #tpu.memory_space<vmem>>, vector<1x128xf32>
      %mul3A_82 = vector.broadcast %get3A_81 : vector<1x128xf32> to vector<512x128xf32>
      %mul3A_83 = vector.broadcast %convert_element_type3A_73 : vector<512x1xf32> to vector<512x128xf32>
      %mul3A_84 = arith.mulf %mul3A_82, %mul3A_83 : vector<512x128xf32>
      %add3A_85 = arith.addf %dot_general3A_78, %mul3A_84 : vector<512x128xf32>
      %get3A_86 = arith.constant 0 : index
      %get3A_87 = arith.constant 0 : index
      %get3A_88 = vector.load %arg5[%get3A_86, %get3A_87] : memref<128x14xf32, #tpu.memory_space<vmem>>, vector<128x14xf32>
      %dot_general3A_89 = arith.constant dense<0.000000e+00> : vector<512x14xf32>
      %dot_general3A_90 = tpu.matmul %add3A_85, %get3A_88, %dot_general3A_89 {dimension_numbers = #tpu.dot_dimension_numbers<[1], [0], [0], [1], [0, 0, 1, 1], [], []>, transpose_lhs_hint = false} : vector<512x128xf32>, vector<128x14xf32>, vector<512x14xf32> -> vector<512x14xf32>
      %get3A_91 = arith.constant 0 : index
      %get3A_92 = arith.constant 0 : index
      %get3A_93 = vector.load %arg6[%get3A_91, %get3A_92] : memref<1x14xf32, #tpu.memory_space<vmem>>, vector<1x14xf32>
      %add3A_94 = vector.broadcast %get3A_93 : vector<1x14xf32> to vector<512x14xf32>
      %add3A_95 = arith.addf %dot_general3A_90, %add3A_94 : vector<512x14xf32>
      %reduce_max3A = arith.constant dense<0xFF800000> : vector<512xf32>
      %reduce_max3A_96 = vector.multi_reduction <maximumf>, %add3A_95, %reduce_max3A [1] : vector<512x14xf32> to vector<512xf32>
      %broadcast_in_dim3A_97 = vector.shape_cast %reduce_max3A_96 : vector<512xf32> to vector<512x1xf32>
      %sub3A = vector.broadcast %broadcast_in_dim3A_97 : vector<512x1xf32> to vector<512x14xf32>
      %sub3A_98 = arith.subf %add3A_95, %sub3A : vector<512x14xf32>
      %exp3A = math.exp %sub3A_98 : vector<512x14xf32>
      %reduce_sum3A = arith.constant dense<0.000000e+00> : vector<512xf32>
      %reduce_sum3A_99 = vector.multi_reduction <add>, %exp3A, %reduce_sum3A [1] : vector<512x14xf32> to vector<512xf32>
      %broadcast_in_dim3A_100 = vector.shape_cast %reduce_sum3A_99 : vector<512xf32> to vector<512x1xf32>
      %log3A = math.log %broadcast_in_dim3A_100 : vector<512x1xf32>
      %add3A_101 = arith.addf %broadcast_in_dim3A_97, %log3A : vector<512x1xf32>
      %sub3A_102 = vector.broadcast %add3A_101 : vector<512x1xf32> to vector<512x14xf32>
      %sub3A_103 = arith.subf %add3A_95, %sub3A_102 : vector<512x14xf32>
      %swap3A_104 = arith.constant 0 : index
      %swap3A_105 = arith.constant 0 : index
      %swap3A_106 = vector.load %arg8[%swap3A_104, %swap3A_105] : memref<512x14xf32, #tpu.memory_space<vmem>>, vector<512x14xf32>
      tpu.vector_store %arg8[%swap3A_104, %swap3A_105], %sub3A_103 {strides = array<i32>} : memref<512x14xf32, #tpu.memory_space<vmem>>, vector<512x14xf32>,
    } else {
    }
    return
  }
  func.func @transform_0(%arg0: i32) -> (i32, i32) {
    %c0_i32 = arith.constant 0 : i32
    %c0_i32_0 = arith.constant 0 : i32
    return %arg0, %c0_i32 : i32, i32
  }
  func.func @transform_1(%arg0: i32) -> (i32, i32) {
    %c0_i32 = arith.constant 0 : i32
    %c0_i32_0 = arith.constant 0 : i32
    return %arg0, %c0_i32 : i32, i32
  }
  func.func @transform_2(%arg0: i32) -> (i32, i32) {
    %c0_i32 = arith.constant 0 : i32
    %c0_i32_0 = arith.constant 0 : i32
    %c0_i32_1 = arith.constant 0 : i32
    return %c0_i32, %c0_i32_0 : i32, i32
  }
  func.func @transform_3(%arg0: i32) -> (i32, i32) {
    %c0_i32 = arith.constant 0 : i32
    %c0_i32_0 = arith.constant 0 : i32
    %c0_i32_1 = arith.constant 0 : i32
    return %c0_i32, %c0_i32_0 : i32, i32
  }
  func.func @transform_4(%arg0: i32) -> (i32, i32) {
    %c0_i32 = arith.constant 0 : i32
    %c0_i32_0 = arith.constant 0 : i32
    %c0_i32_1 = arith.constant 0 : i32
    return %c0_i32, %c0_i32_0 : i32, i32
  }
  func.func @transform_5(%arg0: i32) -> (i32, i32) {
    %c0_i32 = arith.constant 0 : i32
    %c0_i32_0 = arith.constant 0 : i32
    %c0_i32_1 = arith.constant 0 : i32
    return %c0_i32, %c0_i32_0 : i32, i32
  }
  func.func @transform_6(%arg0: i32) -> (i32, i32, i32) {
    %c0_i32 = arith.constant 0 : i32
    %c0_i32_0 = arith.constant 0 : i32
    %c0_i32_1 = arith.constant 0 : i32
    return %c0_i32, %arg0, %c0_i32_0 : i32, i32, i32
  }
  func.func @transform_7(%arg0: i32) -> (i32, i32) {
    %c0_i32 = arith.constant 0 : i32
    %c0_i32_0 = arith.constant 0 : i32
    %c0_i32_1 = arith.constant 0 : i32
    return %c0_i32, %c0_i32_0 : i32, i32
  }
}

</mosaic_0001>

<sc_bundles>
// kernel: kernel.10.cloned.1.call-start
scs
__scs_entry_jumppad:
0x0: {  	(pc) =	sbr.rel $0x88, $3  }
0x1: {  	(tag) =	ssettag $0x0;
	lr =	simm.s32 $0x1  }
0x2: {  	[smem:$0x3F96] =	sst lr;
	_ =	strace $0xD0000000  }
0x3: {  	_ = 	snop  }
0x4: {  	_ = 	snop  }
0x5: {  	_ = 	snop  }
0x6: {  	_ = 	snop  }
0x7: {  	_ = 	snop  }
__scs_overlays_trampoline_lowered:
0x8: {  	[smem:$0x3FA5] =	sst s0  }
0x9: {  	[smem:$0x3FA6] =	sst s1  }
0xa: {  	[smem:$0x3FA7] =	sst s2  }
0xb: {  	[smem:$0x3FA8] =	sst s3  }
0xc: {  	[smem:$0x3FA9] =	sst s4  }
0xd: {  	[smem:$0x3FAA] =	sst s5  }
0xe: {  	[smem:$0x3FAB] =	sst s6  }
0xf: {  	[smem:$0x3FAC] =	sst s7  }
0x10: {  	[smem:$0x3FAD] =	sst s8  }
0x11: {  	[smem:$0x3FAE] =	sst s9;
	s0 =	simm.s32 @!p0 $0x0  }
0x12: {  	s1 =	sld [smem:$0x3F94];
	s0 =	simm.s32 @p0 $0x1  }
0x13: {  	[smem:$0x3FAF] =	sst s0;
	s0 =	simm.s32 @!p1 $0x0  }
0x14: {  	s2 =	sld [smem:$0x3F93];
	s0 =	simm.s32 @p1 $0x1  }
0x15: {  	[smem:$0x3FB0] =	sst s0;
	s0 =	simm.s32 @!p2 $0x0  }
0x16: {  	s3 =	sld [smem:$0x3FDB];
	s0 =	simm.s32 @p2 $0x1  }
0x17: {  	s4 =	simm.s32 $0x1BF5;
	[smem:$0x3FB2] =	sst s0  }
0x18: {  	s0 =	sld [smem:$0x3F95];
	_ =	swait.ge [sflag:s4], $0x0  }
0x19: {  	s7 =	sld [smem:$0x3F96]  }
0x1a: {  	s8 =	sadd.s32 $0xFFFFE003, lr  }
0x1b: {  	s9 =	sadd.s32 $0xFFFFFEF7, lr;
	s5 =	simm.s32 $0xFFFFFFFF;
	p2 =	slt.u32 s8, $0xFFFFF086  }
0x1c: {  	p1 =	slt.u32 s9, $0xF7A;
	s5 =	simm.s32 @!p2 $0x0  }
0x1d: {  	s5 =	simm.s32 @p1 $0x1;
	p0 =	seq.s32 s7, s2  }
0x1e: {  	s7 =	smul.u32 @!p0 $0xF7A, s2;
	p2 =	seq.s32 @!p0 s5, $0x0  }
0x1f: {  	s9 =	smul.u32 $0xF7A, s1;
	s8 =	simm.s32 @!p0 $0x1BF5;
	p2 =	por !p2, p0  }
0x20: {  	[sflag:s8] =	ssyncset.s32 @!p0 $0xFFFFF086;
	s6 =	sadd.s32 @!p0 s3, s7;
	s7 =	simm.s32 @!p0 $0x108  }
0x21: {  	s3 =	sadd.s32 s3, s9;
	s6 =	sadd.s32 @!p0 $0x88, s6;
	s7 =	simm.s32 @p2 $0x1082  }
0x22: {  	[simem:s7], [sflag:s8] =	dma.local @!p0 [hbm:s6], $0xF7A  }
0x23: {  	s9 =	sor.u32 $0xD0000000, s2;
	s6 =	simm.s32 $0x108;
	_ =	swait.ge @!p0 [sflag:s8], $0x0  }
0x24: {  	s3 =	sadd.s32 $0x88, s3;
	s6 =	simm.s32 @!p1 $0x1082;
	[sflag:s4] =	ssyncset.s32 $0xFFFFF086  }
0x25: {  	[simem:s6], [sflag:s4] =	dma.local [hbm:s3], $0xF7A  }
0x26: {  	[smem:$0x3F96] =	sst s1;
	(tag) =	ssettag s2;
	_ =	strace s9  }
0x27: {  	s1 =	sld [smem:$0x3FA6]  }
0x28: {  	s2 =	sld [smem:$0x3FA7]  }
0x29: {  	s4 =	sld [smem:$0x3FA9]  }
0x2a: {  	p0 =	seq.s32 s5, $0x0;
	s5 =	sld [smem:$0x3FAA]  }
0x2b: {  	s6 =	sld [smem:$0x3FAB]  }
0x2c: {  	s7 =	sld [smem:$0x3FAC]  }
0x2d: {  	s3 =	simm.s32 $0x108;
	s8 =	sld [smem:$0x3FAD]  }
0x2e: {  	s3 =	simm.s32 @!p0 $0x1082;
	s9 =	sld [smem:$0x3FAE]  }
0x2f: {  	lr =	sadd.s32 s0, s3;
	s0 =	sld [smem:$0x3FA5]  }
0x30: {  	s3 =	sld [smem:$0x3FA8]  }
0x31: {  	[smem:$0x3FB1] =	sst s10  }
0x32: {  	s10 =	sld [smem:$0x3FAF];
	_ =	sdelay $0x3  }
0x33: {  	p0 =	seq.s32 s10, $0x1;
	s10 =	sld [smem:$0x3FB1];
	_ =	sdelay $0x3  }
0x34: {  	[smem:$0x3FB1] =	sst s10  }
0x35: {  	s10 =	sld [smem:$0x3FB0];
	_ =	sdelay $0x3  }
0x36: {  	p1 =	seq.s32 s10, $0x1;
	s10 =	sld [smem:$0x3FB1];
	_ =	sdelay $0x3  }
0x37: {  	[smem:$0x3FB1] =	sst s10  }
0x38: {  	s10 =	sld [smem:$0x3FB2]  }
0x39: {  	_ = 	snop;
	(pc) =	sbr.ind lr, $3  }
0x3a: {  	_ = 	snop  }
0x3b: {  	_ = 	snop  }
0x3c: {  	p2 =	seq.s32 s10, $0x1;
	s10 =	sld [smem:$0x3FB1]  }
0x3d: {  	_ =	shalt  }
0x3e: {  	_ =	shalt  }
0x3f: {  	_ =	shalt  }
0x40: {  	_ =	shalt  }
0x41: {  	_ =	shalt  }
0x42: {  	_ =	shalt  }
0x43: {  	_ =	shalt  }
0x44: {  	_ =	shalt  }
0x45: {  	_ =	shalt  }
0x46: {  	_ =	shalt  }
0x47: {  	_ =	shalt  }
0x48: {  	_ =	shalt  }
0x49: {  	_ =	shalt  }
0x4a: {  	_ =	shalt  }
0x4b: {  	_ =	shalt  }
0x4c: {  	_ =	shalt  }
0x4d: {  	_ =	shalt  }
0x4e: {  	_ =	shalt  }
0x4f: {  	_ =	shalt  }
0x50: {  	_ =	shalt  }
0x51: {  	_ =	shalt  }
0x52: {  	_ =	shalt  }
0x53: {  	_ =	shalt  }
0x54: {  	_ =	shalt  }
0x55: {  	_ =	shalt  }
0x56: {  	_ =	shalt  }
0x57: {  	_ =	shalt  }
0x58: {  	_ =	shalt  }
0x59: {  	_ =	shalt  }
0x5a: {  	_ =	shalt  }
0x5b: {  	_ =	shalt  }
0x5c: {  	_ =	shalt  }
0x5d: {  	_ =	shalt  }
0x5e: {  	_ =	shalt  }
0x5f: {  	_ =	shalt  }
0x60: {  	_ =	shalt  }
0x61: {  	_ =	shalt  }
0x62: {  	_ =	shalt  }
0x63: {  	_ =	shalt  }
0x64: {  	_ =	shalt  }
0x65: {  	_ =	shalt  }
0x66: {  	_ =	shalt  }
0x67: {  	_ =	shalt  }
0x68: {  	_ =	shalt  }
0x69: {  	_ =	shalt  }
0x6a: {  	_ =	shalt  }
0x6b: {  	_ =	shalt  }
0x6c: {  	_ =	shalt  }
0x6d: {  	_ =	shalt  }
0x6e: {  	_ =	shalt  }
0x6f: {  	_ =	shalt  }
0x70: {  	_ =	shalt  }
0x71: {  	_ =	shalt  }
0x72: {  	_ =	shalt  }
0x73: {  	_ =	shalt  }
0x74: {  	_ =	shalt  }
0x75: {  	_ =	shalt  }
0x76: {  	_ =	shalt  }
0x77: {  	_ =	shalt  }
0x78: {  	_ =	shalt  }
0x79: {  	_ =	shalt  }
0x7a: {  	_ =	shalt  }
0x7b: {  	_ =	shalt  }
0x7c: {  	_ =	shalt  }
0x7d: {  	_ =	shalt  }
0x7e: {  	_ =	shalt  }
0x7f: {  	_ =	shalt  }
0x80: {  	_ =	shalt  }
0x81: {  	_ =	shalt  }
0x82: {  	_ =	shalt  }
0x83: {  	_ =	shalt  }
0x84: {  	_ =	shalt  }
0x85: {  	_ =	shalt  }
0x86: {  	_ =	shalt  }
0x87: {  	_ =	shalt  }
.Lfunc_end0:
.L_simem_size_0:
called_computation_lowered:
.L_overlay_start_0:
0x88: {  	s2 =	sld [smem:$0x3FD9]  }
0x89: {  	s3 =	sld [smem:$0x3FFE];
	_ =	sdelay $0x1  }
0x8a: {  	s1 =	srdreg.scid  }
0x8b: {  	s0 =	sand.u32 $0x1, s1  }
0x8c: {  	s16 =	sshll.u32 s0, $0xA;
	s2 =	sadd.s32 s3, s2  }
0x8d: {  	s2 =	sadd.s32 s2, s16  }
0x8e: {  	[smem:$0x3FBD] =	sst s2  }
0x8f: {  	_ = 	snop  }
0x90: {  	(tm) =	ssettm $0x1  }
0x91: {  	s17 =	sld [smem:$0x3FFB];
	_ =	sdelay $0x3  }
0x92: {  	_ =	strace s17  }
0x93: {  	s2 =	sld [smem:$0x3FFC];
	_ =	sdelay $0x3  }
0x94: {  	_ =	strace s2  }
0x95: {  	s2 =	sld [smem:$0x3FFD];
	_ =	sdelay $0x3  }
0x96: {  	_ =	strace s2  }
0x97: {  	_ =	strace $0x8FFFFFFF  }
0x98: {  	s18 =	sld [smem:$0x3FDB];
	_ =	sdelay $0x1  }
0x99: {  	s19 =	simm.s32 $_scs_section_size  }
0x9a: {  	s4 =	simm.s32 $_size__tile_overlayer_lowered;
	s5 =	simm.s32 $_tile_overlayer_lowered  }
0x9b: {  	s22 =	simm.s32 $0x1BFF;
	s21 =	sshll.u32 s5, $0x1;
	s2 =	sadd.s32 s19, s18  }
0x9c: {  	s6 =	simm.s32 $0x0;
	s20 =	sshll.u32 s4, $0x1;
	s4 =	sadd.s32 s21, s2  }
0x9d: {  	[timem:s6], [sflag:s22] =	dma.local [hbm:s4], s20  }
0x9e: {  	_ =	swait.ge [sflag:s22], s20  }
0x9f: {  	s3 =	ssub.s32 $0x0, s20;
	[sflag:s22] =	ssyncset.done $0x0  }
0xa0: {  	[sflag:s22] =	ssyncadd.s32 s3;
	_ =	sdelay $0x1  }
0xa1: {  	s23 =	simm.s32 $0x1B8B  }
0xa2: {  	_ =	swait.ge [sflag:s23], $0x1  }
0xa3: {  	[sflag:s23] =	ssyncset.done $0x0  }
0xa4: {  	s25 =	simm.s32 $0x1B8E;
	s24 =	sld [smem:$0x3FFE];
	[sflag:s23] =	ssyncadd.s32 $0xFFFFFFFF  }
0xa5: {  	s26 =	simm.s32 $execute0_lowered;
	[smem:$0x3FD2] =	sst s25  }
0xa6: {  	s4 =	sshll.u32 s26, $0x1;
	_ =	strace $0x80000046;
	[dreg:$0x1] =	wrdreg $0xFFFFFFFF  }
0xa7: {  	s28 =	simm.s32 $_size_execute0_lowered;
	s2 =	sadd.s32 s2, s4;
	[dreg:$0x0] =	wrdreg $0x0  }
0xa8: {  	s4 =	sshll.u32 s28, $0x1;
	[dreg:$0x2] =	wrdreg s2  }
0xa9: {  	[dreg:$0x3] =	wrdreg s4  }
0xaa: {  	[dreg:$0x4] =	wrdreg $0xC0  }
0xab: {  	_ =	task [dreg:s6], $0x5FFFF  }
0xac: {  	[dreg:$0x1] =	wrdreg $0xFFFFFFFF  }
0xad: {  	[dreg:$0x0] =	wrdreg $0x60  }
0xae: {  	[dreg:$0x2] =	wrdreg s24  }
0xaf: {  	[dreg:$0x3] =	wrdreg $0x0  }
0xb0: {  	[dreg:$0x4] =	wrdreg $0x9  }
0xb1: {  	_ =	task.clear_ibuf [dreg:s6], $0x5FFFF;
	_ =	strace $0x90000046  }
0xb2: {  	s29 =	simm.s32 $0x9;
	_ =	strace $0x80000048  }
0xb3: {  	_ =	swait.ge [sflag:s29], $0x1  }
0xb4: {  	[sflag:s29] =	ssyncadd.s32 $0xFFFFFFFF  }
0xb5: {  	_ =	strace $0x90000048  }
0xb6: {  	_ =	sfence  }
0xb7: {  	s30 =	sld [smem:$0x0];
	_ =	sdelay $0x2  }
0xb8: {  	s31 =	sshll.u32 s1, $0xD;
	s1 =	sshrl.u32 s1, $0x2  }
0xb9: {  	s3 =	sand.u32 $0x4000, s31;
	s1 =	sadd.s32 s1, s30  }
0xba: {  	s0 =	sor.u32 s3, s0;
	s1 =	sshll.u32 s1, $0x11  }
0xbb: {  	s0 =	sor.u32 s1, s0  }
0xbc: {  	s0 =	sadd.s32 $0x8F2B, s0  }
0xbd: {  	[sflag:s0] =	ssyncadd.remote.s32 $0x1  }
0xbe: {  	_ =	sfence.sel $0xFFFF  }
0xbf: {  	[dreg:$0x0] =	wrdreg $0xFFFFFFFF;
	(pc) =	sbr.abs _section_cstart, $3  }
0xc0: {  	[dreg:$0x1] =	wrdreg $0xFFFFFFFF  }
0xc1: {  	_ =	task.clear_ibuf [dreg:s6], $0x2FFFF;
	_ =	strace $0x9FFFFFFF  }
0xc2: {  	(tm) =	ssettm $0x7FFFFFFF  }
0xc3: {  	_ =	shalt  }
tec
execute0_lowered:
.L_overlay_start_1:
0x0: {  	(tag) =	ssettag $0x1  }
0x1: {  	s0 =	srdreg.scid;
	s6 =	rddreg [dreg:$0x0]  }
0x2: {  	s2 =	rddreg [dreg:$0x1];
	s5 =	sand.u32 $0x1, s0  }
0x3: {  	s0 =	stileid.u32;
	s4 =	smul.u32 $0xC6000, s5  }
0x4: {  	s1 =	rddreg [dreg:$0x2];
	s3 =	simm.s32 $0x0;
	s7 =	smul.u32 $0xC600, s0  }
0x5: {  	s12 =	simm.s32 $0x18720;
	[smem:$0x7FF] =	sst s3;
	s8 =	smul.u32 $0x30E00, s5  }
0x6: {  	s13 =	simm.s32 $0x300;
	_ =	strace $0x80000047;
	s10 =	smul.u32 $0x18700, s0  }
0x7: {  	s9 =	ssub.s32 $0x2, s5;
	s5 =	sadd.s32 $0x34000, s6;
	s31 =	sshll.u32 s0, $0x6  }
0x8: {  	s30 =	sshrl.u32 s9, $0x1;
	s4 =	sadd.s32 s7, s4;
	s11 =	sadd.s32 s10, s2  }
0x9: {  	s15 =	sshrl.u32 s10, $0x3;
	s10 =	sor.u32 $0x1C01, s31;
	s4 =	sshrl.u32 s4, $0x3  }
0xa: {  	s11 =	sshrl.u32 s11, $0x3;
	s29 =	sadd.s32 s4, s6;
	s4 =	sadd.s32 $0x37200, s6  }
0xb: {  	s6 =	sadd.s32 s8, s6;
	s8 =	ssub.s32 s9, s30;
	s9 =	simm.s32 $0x1  }
0xc: {  	s14 =	sadd.s32 $0x37800, s6;
	s6 =	smax.u32 s8, $0x1;
	s7 =	sadd.s32 $0x2800, s29  }
0xd: {  	s8 =	simm.s32 $0x18A20;
	s14 =	sadd.s32 s15, s14;
	s15 =	simm.s32 $0x0  }
.LBB2_1:
0xe: {  	[tilespmem:s8], [sflag:$0x1] =	stream.linear.gather [hbm4b:s4+s3], $0x3000, $0x38;
	[tilespmem:$0x1BA20] =	vst v63  }
0xf: {  	_ =	swait.ge [sflag:s9], $0x3000  }
0x10: {  	[sflag:s9] =	ssyncset.done $0x0  }
0x11: {  	[sflag:s9] =	ssyncadd.s32 $0xFFFFD000  }
0x12: {  	[spmem:s11], [sflag:s10] =	dma.local [hbm:s5], $0x30E0  }
0x13: {  	_ =	swait.ge [sflag:s9], $0x30E0  }
0x14: {  	[sflag:s9] =	ssyncset.done $0x0  }
0x15: {  	[sflag:s9] =	ssyncadd.s32 $0xFFFFCF20  }
0x16: {  	s16 =	sadd.s32 $0x0, s7;
	[bflag:$0x0] =	sbarrier.arrive $0xFFFF  }
0x17: {  	[tilespmem:s12], [sflag:$0x1] =	stream.linear.gather [hbm4b:s16+s3], $0x300, $0x38;
	[tilespmem:$0x1BA20] =	vst v63  }
0x18: {  	_ =	swait.ge [sflag:s9], $0x300  }
0x19: {  	[sflag:s9] =	ssyncset.done $0x0  }
0x1a: {  	[sflag:s9] =	ssyncadd.s32 $0xFFFFFD00  }
0x1b: {  	[spmem:s2] =	stream.indirect.scatter.add.f32 [tilespmem:s8], [sflag:$0x1], $0x10, s12, s13, $0xb8;
	[tilespmem:$0x1BA20] =	vst v63  }
0x1c: {  	_ =	swait.ge [sflag:s9], $0x3000  }
0x1d: {  	s17 =	simm.s32 $0xC0;
	s16 =	simm.s32 $0x60;
	[sflag:s9] =	ssyncset.done $0x0  }
.LBB2_2:
0x1e: {  	s18 =	sadd.s32 s16, s7  }
0x1f: {  	[sflag:s9] =	ssyncadd.s32 $0xFFFFD000;
	s16 =	smov.u32 s17;
	s19 =	sadd.s32 $0x60, s17  }
0x20: {  	[tilespmem:s12], [sflag:$0x1] =	stream.linear.gather [hbm4b:s18+s3], $0x300, $0x38;
	[tilespmem:$0x1BA20] =	vst v63  }
0x21: {  	p0 =	sne.s32 s17, $0x1860;
	_ =	swait.ge [sflag:s9], $0x300  }
.Ltmp0:
0x22: {  	[sflag:s9] =	ssyncset.done $0x0;
	(pc) =	sbr.rel @p0 .LBB2_2-.Ltmp0, $4  }
0x23: {  	[sflag:s9] =	ssyncadd.s32 $0xFFFFFD00  }
0x24: {  	[spmem:s2] =	stream.indirect.scatter.add.f32 [tilespmem:s8], [sflag:$0x1], $0x10, s12, s13, $0xb8;
	[tilespmem:$0x1BA20] =	vst v63  }
0x25: {  	_ =	swait.ge [sflag:s9], $0x3000  }
0x26: {  	s17 =	smov.u32 s19;
	[sflag:s9] =	ssyncset.done $0x0  }
0x27: {  	s16 =	sadd.s32 s16, s7;
	[sflag:s9] =	ssyncadd.s32 $0xFFFFD000  }
0x28: {  	[tilespmem:s12], [sflag:$0x1] =	stream.linear.gather [hbm4b:s16+s3], $0x300, $0x38;
	[tilespmem:$0x1BA20] =	vst v63  }
0x29: {  	_ =	swait.ge [sflag:s9], $0x300  }
0x2a: {  	[sflag:s9] =	ssyncset.done $0x0  }
0x2b: {  	[sflag:s9] =	ssyncadd.s32 $0xFFFFFD00  }
0x2c: {  	[spmem:s2] =	stream.indirect.scatter.add.f32 [tilespmem:s8], [sflag:$0x1], $0x10, s12, s13, $0xb8;
	[tilespmem:$0x1BA20] =	vst v63  }
0x2d: {  	_ =	swait.ge [sflag:s9], $0x3000  }
0x2e: {  	s15 =	sadd.s32 $0x1, s15;
	[sflag:s9] =	ssyncset.done $0x0  }
0x2f: {  	p0 =	sne.s32 s15, s6;
	[sflag:s9] =	ssyncadd.s32 $0xFFFFD000  }
.Ltmp1:
0x30: {  	[bflag:$0x0] =	sbarrier.arrive $0xFFFF;
	(pc) =	sbr.rel @p0 .LBB2_1-.Ltmp1, $4  }
0x31: {  	[hbm:s14], [sflag:s10] =	dma.local [spmem:s11], $0x30E0  }
0x32: {  	_ =	swait.ge [sflag:s9], $0x30E0  }
0x33: {  	[sflag:s9] =	ssyncset.done $0x0  }
0x34: {  	[sflag:s9] =	ssyncadd.s32 $0xFFFFCF20  }
0x35: {  	_ =	sfence.sel $0x180000  }
0x36: {  	[bflag:$0x0] =	sbarrier.arrive $0xFFFF  }
0x37: {  	p0 =	sne.s32 s0, $0x0;
	_ =	strace $0x90000047  }
0x38: {  	s0 =	sadd.s32 @!p0 $0x100000, s1;
	[bflag:$0x2] =	sbarrier.arrive $0xFFFF  }
0x39: {  	[sflag:s0] =	ssyncadd.tile.s32 @!p0 $0x1;
	_ =	shalt  }
.Lfunc_end2:
_tile_overlayer_lowered:
.L_overlay_start_2:
0x3a: {  	(tag) =	ssettag $0x2  }
0x3b: {  	s0 =	rddreg [dreg:$0x0];
	s2 =	stileid.u32  }
0x3c: {  	s1 =	rddreg [dreg:$0x1];
	p0 =	sne.s32 s2, $0x0  }
0x3d: {  	s3 =	rddreg [dreg:$0x2];
	[bflag:$0x3] =	sbarrier.arrive $0xFFFF;
	s2 =	simm.s32 @!p0 $0x1C01  }
0x3e: {  	[timem:s3], [sflag:s2] =	dma.local @!p0 [hbm:s0], s1  }
0x3f: {  	s0 =	simm.s32 @!p0 $0x1  }
0x40: {  	_ =	swait.ge @!p0 [sflag:s0], s1  }
0x41: {  	s1 =	ssub.s32 @!p0 $0x0, s1;
	[sflag:s0] =	ssyncset.done @!p0 $0x0  }
0x42: {  	[sflag:s0] =	ssyncadd.s32 @!p0 s1  }
0x43: {  	[bflag:$0x3] =	sbarrier.arrive $0xFFFF  }
0x44: {  	_ =	shalt  }

// kernel: kernel.13.cloned.1.call-start
scs
__scs_entry_jumppad:
0x0: {  	(pc) =	sbr.rel $0x88, $3  }
0x1: {  	(tag) =	ssettag $0x0;
	lr =	simm.s32 $0x1  }
0x2: {  	[smem:$0x3F96] =	sst lr;
	_ =	strace $0xD0000000  }
0x3: {  	_ = 	snop  }
0x4: {  	_ = 	snop  }
0x5: {  	_ = 	snop  }
0x6: {  	_ = 	snop  }
0x7: {  	_ = 	snop  }
__scs_overlays_trampoline_lowered:
0x8: {  	[smem:$0x3FA5] =	sst s0  }
0x9: {  	[smem:$0x3FA6] =	sst s1  }
0xa: {  	[smem:$0x3FA7] =	sst s2  }
0xb: {  	[smem:$0x3FA8] =	sst s3  }
0xc: {  	[smem:$0x3FA9] =	sst s4  }
0xd: {  	[smem:$0x3FAA] =	sst s5  }
0xe: {  	[smem:$0x3FAB] =	sst s6  }
0xf: {  	[smem:$0x3FAC] =	sst s7  }
0x10: {  	[smem:$0x3FAD] =	sst s8  }
0x11: {  	[smem:$0x3FAE] =	sst s9;
	s0 =	simm.s32 @!p0 $0x0  }
0x12: {  	s1 =	sld [smem:$0x3F94];
	s0 =	simm.s32 @p0 $0x1  }
0x13: {  	[smem:$0x3FAF] =	sst s0;
	s0 =	simm.s32 @!p1 $0x0  }
0x14: {  	s2 =	sld [smem:$0x3F93];
	s0 =	simm.s32 @p1 $0x1  }
0x15: {  	[smem:$0x3FB0] =	sst s0;
	s0 =	simm.s32 @!p2 $0x0  }
0x16: {  	s3 =	sld [smem:$0x3FDB];
	s0 =	simm.s32 @p2 $0x1  }
0x17: {  	s4 =	simm.s32 $0x1BF5;
	[smem:$0x3FB2] =	sst s0  }
0x18: {  	s0 =	sld [smem:$0x3F95];
	_ =	swait.ge [sflag:s4], $0x0  }
0x19: {  	s7 =	sld [smem:$0x3F96]  }
0x1a: {  	s8 =	sadd.s32 $0xFFFFE003, lr  }
0x1b: {  	s9 =	sadd.s32 $0xFFFFFEF7, lr;
	s5 =	simm.s32 $0xFFFFFFFF;
	p2 =	slt.u32 s8, $0xFFFFF086  }
0x1c: {  	p1 =	slt.u32 s9, $0xF7A;
	s5 =	simm.s32 @!p2 $0x0  }
0x1d: {  	s5 =	simm.s32 @p1 $0x1;
	p0 =	seq.s32 s7, s2  }
0x1e: {  	s7 =	smul.u32 @!p0 $0xF7A, s2;
	p2 =	seq.s32 @!p0 s5, $0x0  }
0x1f: {  	s9 =	smul.u32 $0xF7A, s1;
	s8 =	simm.s32 @!p0 $0x1BF5;
	p2 =	por !p2, p0  }
0x20: {  	[sflag:s8] =	ssyncset.s32 @!p0 $0xFFFFF086;
	s6 =	sadd.s32 @!p0 s3, s7;
	s7 =	simm.s32 @!p0 $0x108  }
0x21: {  	s3 =	sadd.s32 s3, s9;
	s6 =	sadd.s32 @!p0 $0x88, s6;
	s7 =	simm.s32 @p2 $0x1082  }
0x22: {  	[simem:s7], [sflag:s8] =	dma.local @!p0 [hbm:s6], $0xF7A  }
0x23: {  	s9 =	sor.u32 $0xD0000000, s2;
	s6 =	simm.s32 $0x108;
	_ =	swait.ge @!p0 [sflag:s8], $0x0  }
0x24: {  	s3 =	sadd.s32 $0x88, s3;
	s6 =	simm.s32 @!p1 $0x1082;
	[sflag:s4] =	ssyncset.s32 $0xFFFFF086  }
0x25: {  	[simem:s6], [sflag:s4] =	dma.local [hbm:s3], $0xF7A  }
0x26: {  	[smem:$0x3F96] =	sst s1;
	(tag) =	ssettag s2;
	_ =	strace s9  }
0x27: {  	s1 =	sld [smem:$0x3FA6]  }
0x28: {  	s2 =	sld [smem:$0x3FA7]  }
0x29: {  	s4 =	sld [smem:$0x3FA9]  }
0x2a: {  	p0 =	seq.s32 s5, $0x0;
	s5 =	sld [smem:$0x3FAA]  }
0x2b: {  	s6 =	sld [smem:$0x3FAB]  }
0x2c: {  	s7 =	sld [smem:$0x3FAC]  }
0x2d: {  	s3 =	simm.s32 $0x108;
	s8 =	sld [smem:$0x3FAD]  }
0x2e: {  	s3 =	simm.s32 @!p0 $0x1082;
	s9 =	sld [smem:$0x3FAE]  }
0x2f: {  	lr =	sadd.s32 s0, s3;
	s0 =	sld [smem:$0x3FA5]  }
0x30: {  	s3 =	sld [smem:$0x3FA8]  }
0x31: {  	[smem:$0x3FB1] =	sst s10  }
0x32: {  	s10 =	sld [smem:$0x3FAF];
	_ =	sdelay $0x3  }
0x33: {  	p0 =	seq.s32 s10, $0x1;
	s10 =	sld [smem:$0x3FB1];
	_ =	sdelay $0x3  }
0x34: {  	[smem:$0x3FB1] =	sst s10  }
0x35: {  	s10 =	sld [smem:$0x3FB0];
	_ =	sdelay $0x3  }
0x36: {  	p1 =	seq.s32 s10, $0x1;
	s10 =	sld [smem:$0x3FB1];
	_ =	sdelay $0x3  }
0x37: {  	[smem:$0x3FB1] =	sst s10  }
0x38: {  	s10 =	sld [smem:$0x3FB2]  }
0x39: {  	_ = 	snop;
	(pc) =	sbr.ind lr, $3  }
0x3a: {  	_ = 	snop  }
0x3b: {  	_ = 	snop  }
0x3c: {  	p2 =	seq.s32 s10, $0x1;
	s10 =	sld [smem:$0x3FB1]  }
0x3d: {  	_ =	shalt  }
0x3e: {  	_ =	shalt  }
0x3f: {  	_ =	shalt  }
0x40: {  	_ =	shalt  }
0x41: {  	_ =	shalt  }
0x42: {  	_ =	shalt  }
0x43: {  	_ =	shalt  }
0x44: {  	_ =	shalt  }
0x45: {  	_ =	shalt  }
0x46: {  	_ =	shalt  }
0x47: {  	_ =	shalt  }
0x48: {  	_ =	shalt  }
0x49: {  	_ =	shalt  }
0x4a: {  	_ =	shalt  }
0x4b: {  	_ =	shalt  }
0x4c: {  	_ =	shalt  }
0x4d: {  	_ =	shalt  }
0x4e: {  	_ =	shalt  }
0x4f: {  	_ =	shalt  }
0x50: {  	_ =	shalt  }
0x51: {  	_ =	shalt  }
0x52: {  	_ =	shalt  }
0x53: {  	_ =	shalt  }
0x54: {  	_ =	shalt  }
0x55: {  	_ =	shalt  }
0x56: {  	_ =	shalt  }
0x57: {  	_ =	shalt  }
0x58: {  	_ =	shalt  }
0x59: {  	_ =	shalt  }
0x5a: {  	_ =	shalt  }
0x5b: {  	_ =	shalt  }
0x5c: {  	_ =	shalt  }
0x5d: {  	_ =	shalt  }
0x5e: {  	_ =	shalt  }
0x5f: {  	_ =	shalt  }
0x60: {  	_ =	shalt  }
0x61: {  	_ =	shalt  }
0x62: {  	_ =	shalt  }
0x63: {  	_ =	shalt  }
0x64: {  	_ =	shalt  }
0x65: {  	_ =	shalt  }
0x66: {  	_ =	shalt  }
0x67: {  	_ =	shalt  }
0x68: {  	_ =	shalt  }
0x69: {  	_ =	shalt  }
0x6a: {  	_ =	shalt  }
0x6b: {  	_ =	shalt  }
0x6c: {  	_ =	shalt  }
0x6d: {  	_ =	shalt  }
0x6e: {  	_ =	shalt  }
0x6f: {  	_ =	shalt  }
0x70: {  	_ =	shalt  }
0x71: {  	_ =	shalt  }
0x72: {  	_ =	shalt  }
0x73: {  	_ =	shalt  }
0x74: {  	_ =	shalt  }
0x75: {  	_ =	shalt  }
0x76: {  	_ =	shalt  }
0x77: {  	_ =	shalt  }
0x78: {  	_ =	shalt  }
0x79: {  	_ =	shalt  }
0x7a: {  	_ =	shalt  }
0x7b: {  	_ =	shalt  }
0x7c: {  	_ =	shalt  }
0x7d: {  	_ =	shalt  }
0x7e: {  	_ =	shalt  }
0x7f: {  	_ =	shalt  }
0x80: {  	_ =	shalt  }
0x81: {  	_ =	shalt  }
0x82: {  	_ =	shalt  }
0x83: {  	_ =	shalt  }
0x84: {  	_ =	shalt  }
0x85: {  	_ =	shalt  }
0x86: {  	_ =	shalt  }
0x87: {  	_ =	shalt  }
.Lfunc_end0:
.L_simem_size_0:
called_computation.1_lowered:
.L_overlay_start_0:
0x88: {  	s2 =	sld [smem:$0x3FD9]  }
0x89: {  	s3 =	sld [smem:$0x3FFE];
	_ =	sdelay $0x1  }
0x8a: {  	s1 =	srdreg.scid  }
0x8b: {  	s0 =	sand.u32 $0x1, s1  }
0x8c: {  	s16 =	sshll.u32 s0, $0xA;
	s2 =	sadd.s32 s3, s2  }
0x8d: {  	s2 =	sadd.s32 s2, s16  }
0x8e: {  	[smem:$0x3FBD] =	sst s2  }
0x8f: {  	_ = 	snop  }
0x90: {  	(tm) =	ssettm $0x1  }
0x91: {  	s17 =	sld [smem:$0x3FFB];
	_ =	sdelay $0x3  }
0x92: {  	_ =	strace s17  }
0x93: {  	s2 =	sld [smem:$0x3FFC];
	_ =	sdelay $0x3  }
0x94: {  	_ =	strace s2  }
0x95: {  	s2 =	sld [smem:$0x3FFD];
	_ =	sdelay $0x3  }
0x96: {  	_ =	strace s2  }
0x97: {  	_ =	strace $0x8FFFFFFF  }
0x98: {  	s18 =	sld [smem:$0x3FDB];
	_ =	sdelay $0x1  }
0x99: {  	s19 =	simm.s32 $_scs_section_size  }
0x9a: {  	s4 =	simm.s32 $_size__tile_overlayer_lowered;
	s5 =	simm.s32 $_tile_overlayer_lowered  }
0x9b: {  	s22 =	simm.s32 $0x1BFF;
	s21 =	sshll.u32 s5, $0x1;
	s2 =	sadd.s32 s19, s18  }
0x9c: {  	s6 =	simm.s32 $0x0;
	s20 =	sshll.u32 s4, $0x1;
	s4 =	sadd.s32 s21, s2  }
0x9d: {  	[timem:s6], [sflag:s22] =	dma.local [hbm:s4], s20  }
0x9e: {  	_ =	swait.ge [sflag:s22], s20  }
0x9f: {  	s3 =	ssub.s32 $0x0, s20;
	[sflag:s22] =	ssyncset.done $0x0  }
0xa0: {  	[sflag:s22] =	ssyncadd.s32 s3;
	_ =	sdelay $0x1  }
0xa1: {  	s23 =	simm.s32 $0x1B8B  }
0xa2: {  	_ =	swait.ge [sflag:s23], $0x1  }
0xa3: {  	[sflag:s23] =	ssyncset.done $0x0  }
0xa4: {  	s25 =	simm.s32 $0x1B8E;
	s24 =	sld [smem:$0x3FFE];
	[sflag:s23] =	ssyncadd.s32 $0xFFFFFFFF  }
0xa5: {  	s26 =	simm.s32 $execute0_lowered;
	[smem:$0x3FD2] =	sst s25  }
0xa6: {  	s4 =	sshll.u32 s26, $0x1;
	_ =	strace $0x80000049;
	[dreg:$0x1] =	wrdreg $0xFFFFFFFF  }
0xa7: {  	s28 =	simm.s32 $_size_execute0_lowered;
	s2 =	sadd.s32 s2, s4;
	[dreg:$0x0] =	wrdreg $0x0  }
0xa8: {  	s4 =	sshll.u32 s28, $0x1;
	[dreg:$0x2] =	wrdreg s2  }
0xa9: {  	[dreg:$0x3] =	wrdreg s4  }
0xaa: {  	[dreg:$0x4] =	wrdreg $0xC0  }
0xab: {  	_ =	task [dreg:s6], $0x5FFFF  }
0xac: {  	[dreg:$0x1] =	wrdreg $0xFFFFFFFF  }
0xad: {  	[dreg:$0x0] =	wrdreg $0x60  }
0xae: {  	[dreg:$0x2] =	wrdreg s24  }
0xaf: {  	[dreg:$0x3] =	wrdreg $0x0  }
0xb0: {  	[dreg:$0x4] =	wrdreg $0x9  }
0xb1: {  	_ =	task.clear_ibuf [dreg:s6], $0x5FFFF;
	_ =	strace $0x90000049  }
0xb2: {  	s29 =	simm.s32 $0x9;
	_ =	strace $0x8000004B  }
0xb3: {  	_ =	swait.ge [sflag:s29], $0x1  }
0xb4: {  	[sflag:s29] =	ssyncadd.s32 $0xFFFFFFFF  }
0xb5: {  	_ =	strace $0x9000004B  }
0xb6: {  	_ =	sfence  }
0xb7: {  	s30 =	sld [smem:$0x0];
	_ =	sdelay $0x2  }
0xb8: {  	s31 =	sshll.u32 s1, $0xD;
	s1 =	sshrl.u32 s1, $0x2  }
0xb9: {  	s3 =	sand.u32 $0x4000, s31;
	s1 =	sadd.s32 s1, s30  }
0xba: {  	s0 =	sor.u32 s3, s0;
	s1 =	sshll.u32 s1, $0x11  }
0xbb: {  	s0 =	sor.u32 s1, s0  }
0xbc: {  	s0 =	sadd.s32 $0x8F2B, s0  }
0xbd: {  	[sflag:s0] =	ssyncadd.remote.s32 $0x1  }
0xbe: {  	_ =	sfence.sel $0xFFFF  }
0xbf: {  	[dreg:$0x0] =	wrdreg $0xFFFFFFFF;
	(pc) =	sbr.abs _section_cstart, $3  }
0xc0: {  	[dreg:$0x1] =	wrdreg $0xFFFFFFFF  }
0xc1: {  	_ =	task.clear_ibuf [dreg:s6], $0x2FFFF;
	_ =	strace $0x9FFFFFFF  }
0xc2: {  	(tm) =	ssettm $0x7FFFFFFF  }
0xc3: {  	_ =	shalt  }
tec
execute0_lowered:
.L_overlay_start_1:
0x0: {  	(tag) =	ssettag $0x1  }
0x1: {  	s4 =	rddreg [dreg:$0x0]  }
0x2: {  	s2 =	rddreg [dreg:$0x1]  }
0x3: {  	s0 =	rddreg [dreg:$0x2];
	s1 =	stileid.u32  }
0x4: {  	s5 =	srdreg.scid;
	s3 =	simm.s32 $0x0;
	s12 =	simm.s32 $0x18720  }
0x5: {  	s13 =	simm.s32 $0x18A20;
	s14 =	simm.s32 $0x300;
	s15 =	simm.s32 $0x18D20  }
0x6: {  	s16 =	simm.s32 $0x1BD20;
	s17 =	simm.s32 $0x1C020;
	s18 =	simm.s32 $0x1  }
0x7: {  	s19 =	simm.s32 $0x1C320;
	s20 =	simm.s32 $0x2;
	s6 =	smul.u32 $0x3180, s1  }
0x8: {  	s5 =	sand.u32 $0x1, s5;
	[smem:$0x7FF] =	sst s3;
	s8 =	smul.u32 $0x18700, s1  }
0x9: {  	s31 =	sshll.u32 s1, $0x6;
	s7 =	smul.u32 $0x30E00, s5;
	s5 =	ssub.s32 $0x2, s5  }
0xa: {  	_ =	strace $0x8000004A;
	s9 =	sadd.s32 s6, s4;
	s30 =	sshrl.u32 s5, $0x1  }
0xb: {  	s21 =	sshrl.u32 s8, $0x3;
	s11 =	sadd.s32 s8, s2;
	s6 =	sor.u32 $0x1C03, s31  }
0xc: {  	s7 =	sadd.s32 s7, s4;
	s10 =	ssub.s32 s5, s30;
	s8 =	sadd.s32 $0x2800, s9  }
0xd: {  	s9 =	sadd.s32 $0x21FE00, s9;
	s4 =	sadd.s32 $0x34000, s7;
	s22 =	sadd.s32 $0x95C00, s7  }
0xe: {  	s7 =	smax.u32 s10, $0x1;
	s10 =	sshrl.u32 s11, $0x3;
	s11 =	simm.s32 $0x3  }
0xf: {  	s5 =	sadd.s32 s21, s4;
	s21 =	sadd.s32 s21, s22;
	s22 =	simm.s32 $0x0  }
.LBB2_1:
0x10: {  	[spmem:s10], [sflag:s6] =	dma.local [hbm:s5], $0x30E0  }
0x11: {  	_ =	swait.ge [sflag:s11], $0x30E0  }
0x12: {  	[sflag:s11] =	ssyncset.done $0x0  }
0x13: {  	[sflag:s11] =	ssyncadd.s32 $0xFFFFCF20  }
0x14: {  	s23 =	sadd.s32 $0x0, s9;
	[bflag:$0x0] =	sbarrier.arrive $0xFFFF  }
0x15: {  	[tilespmem:s12], [sflag:$0x3] =	stream.linear.gather [hbm4b:s23+s3], $0x300, $0x38;
	[tilespmem:$0x1F320] =	vst v63  }
0x16: {  	_ =	swait.ge [sflag:s11], $0x300  }
0x17: {  	[sflag:s11] =	ssyncset.done $0x0  }
0x18: {  	s24 =	sadd.s32 $0x0, s8;
	[sflag:s11] =	ssyncadd.s32 $0xFFFFFD00  }
0x19: {  	[tilespmem:s13], [sflag:$0x3] =	stream.linear.gather [hbm4b:s24+s3], $0x300, $0x38;
	[tilespmem:$0x1F320] =	vst v63  }
0x1a: {  	_ =	swait.ge [sflag:s11], $0x300  }
0x1b: {  	[sflag:s11] =	ssyncset.done $0x0  }
0x1c: {  	[sflag:s11] =	ssyncadd.s32 $0xFFFFFD00  }
0x1d: {  	[tilespmem:s15], [sflag:$0x1] =	stream.indirect.gather [hbm4b:s4+s14], $0x10, s12, s14, $0xb8;
	[tilespmem:$0x1F320] =	vst v63  }
0x1e: {  	s23 =	sadd.s32 $0x60, s23  }
0x1f: {  	[tilespmem:s16], [sflag:$0x3] =	stream.linear.gather [hbm4b:s23+s3], $0x300, $0x38;
	[tilespmem:$0x1F320] =	vst v63  }
0x20: {  	_ =	swait.ge [sflag:s11], $0x300  }
0x21: {  	[sflag:s11] =	ssyncset.done $0x0  }
0x22: {  	s31 =	sadd.s32 $0x60, s24;
	[sflag:s11] =	ssyncadd.s32 $0xFFFFFD00  }
0x23: {  	[tilespmem:s17], [sflag:$0x3] =	stream.linear.gather [hbm4b:s31+s3], $0x300, $0x38;
	[tilespmem:$0x1F320] =	vst v63  }
0x24: {  	_ =	swait.ge [sflag:s11], $0x300  }
0x25: {  	[sflag:s11] =	ssyncset.done $0x0  }
0x26: {  	[sflag:s11] =	ssyncadd.s32 $0xFFFFFD00  }
0x27: {  	_ =	swait.ge [sflag:s18], $0x3000  }
0x28: {  	[sflag:s18] =	ssyncset.done $0x0  }
0x29: {  	[sflag:s18] =	ssyncadd.s32 $0xFFFFD000  }
0x2a: {  	[tilespmem:s19], [sflag:$0x1] =	stream.indirect.gather [hbm4b:s4+s14], $0x10, s16, s14, $0xb8;
	[tilespmem:$0x1F320] =	vst v63  }
0x2b: {  	_ = 	snop  }
0x2c: {  	[spmem:s2] =	stream.indirect.scatter.add.f32 [tilespmem:s15], [sflag:$0x2], $0x10, s13, s14, $0xb8;
	[tilespmem:$0x1F320] =	vst v63  }
0x2d: {  	_ =	swait.ge [sflag:s18], $0x3000  }
0x2e: {  	[sflag:s18] =	ssyncset.done $0x0  }
0x2f: {  	[sflag:s18] =	ssyncadd.s32 $0xFFFFD000  }
0x30: {  	[spmem:s2] =	stream.indirect.scatter.add.f32 [tilespmem:s19], [sflag:$0x2], $0x10, s17, s14, $0xb8;
	[tilespmem:$0x1F320] =	vst v63  }
0x31: {  	_ =	swait.ge [sflag:s20], $0x3000  }
0x32: {  	[sflag:s20] =	ssyncset.done $0x0  }
0x33: {  	[sflag:s20] =	ssyncadd.s32 $0xFFFFD000  }
0x34: {  	_ =	swait.ge [sflag:s20], $0x3000  }
0x35: {  	s25 =	simm.s32 $0x180;
	s23 =	simm.s32 $0xC0;
	[sflag:s20] =	ssyncset.done $0x0  }
.LBB2_2:
0x36: {  	s26 =	sadd.s32 s23, s9  }
0x37: {  	[sflag:s20] =	ssyncadd.s32 $0xFFFFD000;
	s28 =	smov.u32 s25;
	s24 =	sadd.s32 $0xC0, s25  }
0x38: {  	[tilespmem:s12], [sflag:$0x3] =	stream.linear.gather [hbm4b:s26+s3], $0x300, $0x38;
	[tilespmem:$0x1F320] =	vst v63  }
0x39: {  	p0 =	sne.s32 s25, $0x30C0;
	_ =	swait.ge [sflag:s11], $0x300  }
0x3a: {  	[sflag:s11] =	ssyncset.done $0x0  }
0x3b: {  	s25 =	sadd.s32 s23, s8;
	s23 =	smov.u32 s28;
	[sflag:s11] =	ssyncadd.s32 $0xFFFFFD00  }
0x3c: {  	[tilespmem:s13], [sflag:$0x3] =	stream.linear.gather [hbm4b:s25+s3], $0x300, $0x38;
	[tilespmem:$0x1F320] =	vst v63  }
0x3d: {  	_ =	swait.ge [sflag:s11], $0x300  }
0x3e: {  	[sflag:s11] =	ssyncset.done $0x0  }
0x3f: {  	[sflag:s11] =	ssyncadd.s32 $0xFFFFFD00  }
0x40: {  	[tilespmem:s15], [sflag:$0x1] =	stream.indirect.gather [hbm4b:s4+s14], $0x10, s12, s14, $0xb8;
	[tilespmem:$0x1F320] =	vst v63  }
0x41: {  	s26 =	sadd.s32 $0x60, s26  }
0x42: {  	[tilespmem:s16], [sflag:$0x3] =	stream.linear.gather [hbm4b:s26+s3], $0x300, $0x38;
	[tilespmem:$0x1F320] =	vst v63  }
0x43: {  	_ =	swait.ge [sflag:s11], $0x300  }
0x44: {  	[sflag:s11] =	ssyncset.done $0x0  }
0x45: {  	s25 =	sadd.s32 $0x60, s25;
	[sflag:s11] =	ssyncadd.s32 $0xFFFFFD00  }
0x46: {  	[tilespmem:s17], [sflag:$0x3] =	stream.linear.gather [hbm4b:s25+s3], $0x300, $0x38;
	[tilespmem:$0x1F320] =	vst v63  }
0x47: {  	_ =	swait.ge [sflag:s11], $0x300  }
0x48: {  	[sflag:s11] =	ssyncset.done $0x0  }
0x49: {  	[sflag:s11] =	ssyncadd.s32 $0xFFFFFD00  }
0x4a: {  	_ =	swait.ge [sflag:s18], $0x3000  }
0x4b: {  	[sflag:s18] =	ssyncset.done $0x0  }
0x4c: {  	[sflag:s18] =	ssyncadd.s32 $0xFFFFD000  }
0x4d: {  	[tilespmem:s19], [sflag:$0x1] =	stream.indirect.gather [hbm4b:s4+s14], $0x10, s16, s14, $0xb8;
	[tilespmem:$0x1F320] =	vst v63  }
0x4e: {  	_ = 	snop  }
0x4f: {  	[spmem:s2] =	stream.indirect.scatter.add.f32 [tilespmem:s15], [sflag:$0x2], $0x10, s13, s14, $0xb8;
	[tilespmem:$0x1F320] =	vst v63  }
0x50: {  	_ =	swait.ge [sflag:s18], $0x3000  }
0x51: {  	[sflag:s18] =	ssyncset.done $0x0  }
0x52: {  	[sflag:s18] =	ssyncadd.s32 $0xFFFFD000  }
0x53: {  	[spmem:s2] =	stream.indirect.scatter.add.f32 [tilespmem:s19], [sflag:$0x2], $0x10, s17, s14, $0xb8;
	[tilespmem:$0x1F320] =	vst v63  }
.Ltmp0:
0x54: {  	_ =	swait.ge [sflag:s20], $0x3000;
	(pc) =	sbr.rel @p0 .LBB2_2-.Ltmp0, $4  }
0x55: {  	[sflag:s20] =	ssyncset.done $0x0  }
0x56: {  	[sflag:s20] =	ssyncadd.s32 $0xFFFFD000  }
0x57: {  	_ =	swait.ge [sflag:s20], $0x3000  }
0x58: {  	s25 =	smov.u32 s24;
	[sflag:s20] =	ssyncset.done $0x0  }
0x59: {  	s24 =	sadd.s32 s23, s9;
	[sflag:s20] =	ssyncadd.s32 $0xFFFFD000  }
0x5a: {  	[tilespmem:s12], [sflag:$0x3] =	stream.linear.gather [hbm4b:s24+s3], $0x300, $0x38;
	[tilespmem:$0x1F320] =	vst v63  }
0x5b: {  	_ =	swait.ge [sflag:s11], $0x300  }
0x5c: {  	[sflag:s11] =	ssyncset.done $0x0  }
0x5d: {  	s31 =	sadd.s32 s23, s8;
	[sflag:s11] =	ssyncadd.s32 $0xFFFFFD00  }
0x5e: {  	[tilespmem:s13], [sflag:$0x3] =	stream.linear.gather [hbm4b:s31+s3], $0x300, $0x38;
	[tilespmem:$0x1F320] =	vst v63  }
0x5f: {  	_ =	swait.ge [sflag:s11], $0x300  }
0x60: {  	[sflag:s11] =	ssyncset.done $0x0  }
0x61: {  	[sflag:s11] =	ssyncadd.s32 $0xFFFFFD00  }
0x62: {  	[tilespmem:s15], [sflag:$0x1] =	stream.indirect.gather [hbm4b:s4+s14], $0x10, s12, s14, $0xb8;
	[tilespmem:$0x1F320] =	vst v63  }
0x63: {  	s24 =	sadd.s32 $0x60, s24  }
0x64: {  	[tilespmem:s16], [sflag:$0x3] =	stream.linear.gather [hbm4b:s24+s3], $0x300, $0x38;
	[tilespmem:$0x1F320] =	vst v63  }
0x65: {  	_ =	swait.ge [sflag:s11], $0x300  }
0x66: {  	[sflag:s11] =	ssyncset.done $0x0  }
0x67: {  	s23 =	sadd.s32 $0x60, s31;
	[sflag:s11] =	ssyncadd.s32 $0xFFFFFD00  }
0x68: {  	[tilespmem:s17], [sflag:$0x3] =	stream.linear.gather [hbm4b:s23+s3], $0x300, $0x38;
	[tilespmem:$0x1F320] =	vst v63  }
0x69: {  	_ =	swait.ge [sflag:s11], $0x300  }
0x6a: {  	[sflag:s11] =	ssyncset.done $0x0  }
0x6b: {  	[sflag:s11] =	ssyncadd.s32 $0xFFFFFD00  }
0x6c: {  	_ =	swait.ge [sflag:s18], $0x3000  }
0x6d: {  	[sflag:s18] =	ssyncset.done $0x0  }
0x6e: {  	[sflag:s18] =	ssyncadd.s32 $0xFFFFD000  }
0x6f: {  	[tilespmem:s19], [sflag:$0x1] =	stream.indirect.gather [hbm4b:s4+s14], $0x10, s16, s14, $0xb8;
	[tilespmem:$0x1F320] =	vst v63  }
0x70: {  	_ = 	snop  }
0x71: {  	[spmem:s2] =	stream.indirect.scatter.add.f32 [tilespmem:s15], [sflag:$0x2], $0x10, s13, s14, $0xb8;
	[tilespmem:$0x1F320] =	vst v63  }
0x72: {  	_ =	swait.ge [sflag:s18], $0x3000  }
0x73: {  	[sflag:s18] =	ssyncset.done $0x0  }
0x74: {  	[sflag:s18] =	ssyncadd.s32 $0xFFFFD000  }
0x75: {  	[spmem:s2] =	stream.indirect.scatter.add.f32 [tilespmem:s19], [sflag:$0x2], $0x10, s17, s14, $0xb8;
	[tilespmem:$0x1F320] =	vst v63  }
0x76: {  	_ =	swait.ge [sflag:s20], $0x3000  }
0x77: {  	[sflag:s20] =	ssyncset.done $0x0  }
0x78: {  	[sflag:s20] =	ssyncadd.s32 $0xFFFFD000  }
0x79: {  	_ =	swait.ge [sflag:s20], $0x3000  }
0x7a: {  	s22 =	sadd.s32 $0x1, s22;
	[sflag:s20] =	ssyncset.done $0x0  }
0x7b: {  	p0 =	sne.s32 s22, s7;
	[sflag:s20] =	ssyncadd.s32 $0xFFFFD000  }
.Ltmp1:
0x7c: {  	[bflag:$0x0] =	sbarrier.arrive $0xFFFF;
	(pc) =	sbr.rel @p0 .LBB2_1-.Ltmp1, $4  }
0x7d: {  	[hbm:s21], [sflag:s6] =	dma.local [spmem:s10], $0x30E0  }
0x7e: {  	_ =	swait.ge [sflag:s11], $0x30E0  }
0x7f: {  	[sflag:s11] =	ssyncset.done $0x0  }
0x80: {  	[sflag:s11] =	ssyncadd.s32 $0xFFFFCF20  }
0x81: {  	_ =	sfence.sel $0x180000  }
0x82: {  	[bflag:$0x0] =	sbarrier.arrive $0xFFFF  }
0x83: {  	p0 =	sne.s32 s1, $0x0;
	_ =	strace $0x9000004A  }
0x84: {  	s0 =	sadd.s32 @!p0 $0x100000, s0;
	[bflag:$0x2] =	sbarrier.arrive $0xFFFF  }
0x85: {  	[sflag:s0] =	ssyncadd.tile.s32 @!p0 $0x1;
	_ =	shalt  }
.Lfunc_end2:
_tile_overlayer_lowered:
.L_overlay_start_2:
0x86: {  	(tag) =	ssettag $0x2  }
0x87: {  	s0 =	rddreg [dreg:$0x0];
	s2 =	stileid.u32  }
0x88: {  	s1 =	rddreg [dreg:$0x1];
	p0 =	sne.s32 s2, $0x0  }
0x89: {  	s3 =	rddreg [dreg:$0x2];
	[bflag:$0x3] =	sbarrier.arrive $0xFFFF;
	s2 =	simm.s32 @!p0 $0x1C03  }
0x8a: {  	[timem:s3], [sflag:s2] =	dma.local @!p0 [hbm:s0], s1  }
0x8b: {  	s0 =	simm.s32 @!p0 $0x3  }
0x8c: {  	_ =	swait.ge @!p0 [sflag:s0], s1  }
0x8d: {  	s1 =	ssub.s32 @!p0 $0x0, s1;
	[sflag:s0] =	ssyncset.done @!p0 $0x0  }
0x8e: {  	[sflag:s0] =	ssyncadd.s32 @!p0 s1  }
0x8f: {  	[bflag:$0x3] =	sbarrier.arrive $0xFFFF  }
0x90: {  	_ =	shalt  }

// kernel: kernel.16.cloned.1.call-start
scs
__scs_entry_jumppad:
0x0: {  	(pc) =	sbr.rel $0x88, $3  }
0x1: {  	(tag) =	ssettag $0x0;
	lr =	simm.s32 $0x1  }
0x2: {  	[smem:$0x3F96] =	sst lr;
	_ =	strace $0xD0000000  }
0x3: {  	_ = 	snop  }
0x4: {  	_ = 	snop  }
0x5: {  	_ = 	snop  }
0x6: {  	_ = 	snop  }
0x7: {  	_ = 	snop  }
__scs_overlays_trampoline_lowered:
0x8: {  	[smem:$0x3FA5] =	sst s0  }
0x9: {  	[smem:$0x3FA6] =	sst s1  }
0xa: {  	[smem:$0x3FA7] =	sst s2  }
0xb: {  	[smem:$0x3FA8] =	sst s3  }
0xc: {  	[smem:$0x3FA9] =	sst s4  }
0xd: {  	[smem:$0x3FAA] =	sst s5  }
0xe: {  	[smem:$0x3FAB] =	sst s6  }
0xf: {  	[smem:$0x3FAC] =	sst s7  }
0x10: {  	[smem:$0x3FAD] =	sst s8  }
0x11: {  	[smem:$0x3FAE] =	sst s9;
	s0 =	simm.s32 @!p0 $0x0  }
0x12: {  	s1 =	sld [smem:$0x3F94];
	s0 =	simm.s32 @p0 $0x1  }
0x13: {  	[smem:$0x3FAF] =	sst s0;
	s0 =	simm.s32 @!p1 $0x0  }
0x14: {  	s2 =	sld [smem:$0x3F93];
	s0 =	simm.s32 @p1 $0x1  }
0x15: {  	[smem:$0x3FB0] =	sst s0;
	s0 =	simm.s32 @!p2 $0x0  }
0x16: {  	s3 =	sld [smem:$0x3FDB];
	s0 =	simm.s32 @p2 $0x1  }
0x17: {  	s4 =	simm.s32 $0x1BF5;
	[smem:$0x3FB2] =	sst s0  }
0x18: {  	s0 =	sld [smem:$0x3F95];
	_ =	swait.ge [sflag:s4], $0x0  }
0x19: {  	s7 =	sld [smem:$0x3F96]  }
0x1a: {  	s8 =	sadd.s32 $0xFFFFE003, lr  }
0x1b: {  	s9 =	sadd.s32 $0xFFFFFEF7, lr;
	s5 =	simm.s32 $0xFFFFFFFF;
	p2 =	slt.u32 s8, $0xFFFFF086  }
0x1c: {  	p1 =	slt.u32 s9, $0xF7A;
	s5 =	simm.s32 @!p2 $0x0  }
0x1d: {  	s5 =	simm.s32 @p1 $0x1;
	p0 =	seq.s32 s7, s2  }
0x1e: {  	s7 =	smul.u32 @!p0 $0xF7A, s2;
	p2 =	seq.s32 @!p0 s5, $0x0  }
0x1f: {  	s9 =	smul.u32 $0xF7A, s1;
	s8 =	simm.s32 @!p0 $0x1BF5;
	p2 =	por !p2, p0  }
0x20: {  	[sflag:s8] =	ssyncset.s32 @!p0 $0xFFFFF086;
	s6 =	sadd.s32 @!p0 s3, s7;
	s7 =	simm.s32 @!p0 $0x108  }
0x21: {  	s3 =	sadd.s32 s3, s9;
	s6 =	sadd.s32 @!p0 $0x88, s6;
	s7 =	simm.s32 @p2 $0x1082  }
0x22: {  	[simem:s7], [sflag:s8] =	dma.local @!p0 [hbm:s6], $0xF7A  }
0x23: {  	s9 =	sor.u32 $0xD0000000, s2;
	s6 =	simm.s32 $0x108;
	_ =	swait.ge @!p0 [sflag:s8], $0x0  }
0x24: {  	s3 =	sadd.s32 $0x88, s3;
	s6 =	simm.s32 @!p1 $0x1082;
	[sflag:s4] =	ssyncset.s32 $0xFFFFF086  }
0x25: {  	[simem:s6], [sflag:s4] =	dma.local [hbm:s3], $0xF7A  }
0x26: {  	[smem:$0x3F96] =	sst s1;
	(tag) =	ssettag s2;
	_ =	strace s9  }
0x27: {  	s1 =	sld [smem:$0x3FA6]  }
0x28: {  	s2 =	sld [smem:$0x3FA7]  }
0x29: {  	s4 =	sld [smem:$0x3FA9]  }
0x2a: {  	p0 =	seq.s32 s5, $0x0;
	s5 =	sld [smem:$0x3FAA]  }
0x2b: {  	s6 =	sld [smem:$0x3FAB]  }
0x2c: {  	s7 =	sld [smem:$0x3FAC]  }
0x2d: {  	s3 =	simm.s32 $0x108;
	s8 =	sld [smem:$0x3FAD]  }
0x2e: {  	s3 =	simm.s32 @!p0 $0x1082;
	s9 =	sld [smem:$0x3FAE]  }
0x2f: {  	lr =	sadd.s32 s0, s3;
	s0 =	sld [smem:$0x3FA5]  }
0x30: {  	s3 =	sld [smem:$0x3FA8]  }
0x31: {  	[smem:$0x3FB1] =	sst s10  }
0x32: {  	s10 =	sld [smem:$0x3FAF];
	_ =	sdelay $0x3  }
0x33: {  	p0 =	seq.s32 s10, $0x1;
	s10 =	sld [smem:$0x3FB1];
	_ =	sdelay $0x3  }
0x34: {  	[smem:$0x3FB1] =	sst s10  }
0x35: {  	s10 =	sld [smem:$0x3FB0];
	_ =	sdelay $0x3  }
0x36: {  	p1 =	seq.s32 s10, $0x1;
	s10 =	sld [smem:$0x3FB1];
	_ =	sdelay $0x3  }
0x37: {  	[smem:$0x3FB1] =	sst s10  }
0x38: {  	s10 =	sld [smem:$0x3FB2]  }
0x39: {  	_ = 	snop;
	(pc) =	sbr.ind lr, $3  }
0x3a: {  	_ = 	snop  }
0x3b: {  	_ = 	snop  }
0x3c: {  	p2 =	seq.s32 s10, $0x1;
	s10 =	sld [smem:$0x3FB1]  }
0x3d: {  	_ =	shalt  }
0x3e: {  	_ =	shalt  }
0x3f: {  	_ =	shalt  }
0x40: {  	_ =	shalt  }
0x41: {  	_ =	shalt  }
0x42: {  	_ =	shalt  }
0x43: {  	_ =	shalt  }
0x44: {  	_ =	shalt  }
0x45: {  	_ =	shalt  }
0x46: {  	_ =	shalt  }
0x47: {  	_ =	shalt  }
0x48: {  	_ =	shalt  }
0x49: {  	_ =	shalt  }
0x4a: {  	_ =	shalt  }
0x4b: {  	_ =	shalt  }
0x4c: {  	_ =	shalt  }
0x4d: {  	_ =	shalt  }
0x4e: {  	_ =	shalt  }
0x4f: {  	_ =	shalt  }
0x50: {  	_ =	shalt  }
0x51: {  	_ =	shalt  }
0x52: {  	_ =	shalt  }
0x53: {  	_ =	shalt  }
0x54: {  	_ =	shalt  }
0x55: {  	_ =	shalt  }
0x56: {  	_ =	shalt  }
0x57: {  	_ =	shalt  }
0x58: {  	_ =	shalt  }
0x59: {  	_ =	shalt  }
0x5a: {  	_ =	shalt  }
0x5b: {  	_ =	shalt  }
0x5c: {  	_ =	shalt  }
0x5d: {  	_ =	shalt  }
0x5e: {  	_ =	shalt  }
0x5f: {  	_ =	shalt  }
0x60: {  	_ =	shalt  }
0x61: {  	_ =	shalt  }
0x62: {  	_ =	shalt  }
0x63: {  	_ =	shalt  }
0x64: {  	_ =	shalt  }
0x65: {  	_ =	shalt  }
0x66: {  	_ =	shalt  }
0x67: {  	_ =	shalt  }
0x68: {  	_ =	shalt  }
0x69: {  	_ =	shalt  }
0x6a: {  	_ =	shalt  }
0x6b: {  	_ =	shalt  }
0x6c: {  	_ =	shalt  }
0x6d: {  	_ =	shalt  }
0x6e: {  	_ =	shalt  }
0x6f: {  	_ =	shalt  }
0x70: {  	_ =	shalt  }
0x71: {  	_ =	shalt  }
0x72: {  	_ =	shalt  }
0x73: {  	_ =	shalt  }
0x74: {  	_ =	shalt  }
0x75: {  	_ =	shalt  }
0x76: {  	_ =	shalt  }
0x77: {  	_ =	shalt  }
0x78: {  	_ =	shalt  }
0x79: {  	_ =	shalt  }
0x7a: {  	_ =	shalt  }
0x7b: {  	_ =	shalt  }
0x7c: {  	_ =	shalt  }
0x7d: {  	_ =	shalt  }
0x7e: {  	_ =	shalt  }
0x7f: {  	_ =	shalt  }
0x80: {  	_ =	shalt  }
0x81: {  	_ =	shalt  }
0x82: {  	_ =	shalt  }
0x83: {  	_ =	shalt  }
0x84: {  	_ =	shalt  }
0x85: {  	_ =	shalt  }
0x86: {  	_ =	shalt  }
0x87: {  	_ =	shalt  }
.Lfunc_end0:
.L_simem_size_0:
called_computation.2_lowered:
.L_overlay_start_0:
0x88: {  	s2 =	sld [smem:$0x3FD9]  }
0x89: {  	s3 =	sld [smem:$0x3FFE];
	_ =	sdelay $0x1  }
0x8a: {  	s1 =	srdreg.scid  }
0x8b: {  	s0 =	sand.u32 $0x1, s1  }
0x8c: {  	s16 =	sshll.u32 s0, $0xA;
	s2 =	sadd.s32 s3, s2  }
0x8d: {  	s2 =	sadd.s32 s2, s16  }
0x8e: {  	[smem:$0x3FBD] =	sst s2  }
0x8f: {  	_ = 	snop  }
0x90: {  	(tm) =	ssettm $0x1  }
0x91: {  	s17 =	sld [smem:$0x3FFB];
	_ =	sdelay $0x3  }
0x92: {  	_ =	strace s17  }
0x93: {  	s2 =	sld [smem:$0x3FFC];
	_ =	sdelay $0x3  }
0x94: {  	_ =	strace s2  }
0x95: {  	s2 =	sld [smem:$0x3FFD];
	_ =	sdelay $0x3  }
0x96: {  	_ =	strace s2  }
0x97: {  	_ =	strace $0x8FFFFFFF  }
0x98: {  	s18 =	sld [smem:$0x3FDB];
	_ =	sdelay $0x1  }
0x99: {  	s19 =	simm.s32 $_scs_section_size  }
0x9a: {  	s4 =	simm.s32 $_size__tile_overlayer_lowered;
	s5 =	simm.s32 $_tile_overlayer_lowered  }
0x9b: {  	s22 =	simm.s32 $0x1BFF;
	s21 =	sshll.u32 s5, $0x1;
	s2 =	sadd.s32 s19, s18  }
0x9c: {  	s6 =	simm.s32 $0x0;
	s20 =	sshll.u32 s4, $0x1;
	s4 =	sadd.s32 s21, s2  }
0x9d: {  	[timem:s6], [sflag:s22] =	dma.local [hbm:s4], s20  }
0x9e: {  	_ =	swait.ge [sflag:s22], s20  }
0x9f: {  	s3 =	ssub.s32 $0x0, s20;
	[sflag:s22] =	ssyncset.done $0x0  }
0xa0: {  	[sflag:s22] =	ssyncadd.s32 s3;
	_ =	sdelay $0x1  }
0xa1: {  	s23 =	simm.s32 $0x1B8B  }
0xa2: {  	_ =	swait.ge [sflag:s23], $0x1  }
0xa3: {  	[sflag:s23] =	ssyncset.done $0x0  }
0xa4: {  	s25 =	simm.s32 $0x1B8E;
	s24 =	sld [smem:$0x3FFE];
	[sflag:s23] =	ssyncadd.s32 $0xFFFFFFFF  }
0xa5: {  	s26 =	simm.s32 $execute0_lowered;
	[smem:$0x3FD2] =	sst s25  }
0xa6: {  	s4 =	sshll.u32 s26, $0x1;
	_ =	strace $0x8000004C;
	[dreg:$0x1] =	wrdreg $0xFFFFFFFF  }
0xa7: {  	s28 =	simm.s32 $_size_execute0_lowered;
	s2 =	sadd.s32 s2, s4;
	[dreg:$0x0] =	wrdreg $0x0  }
0xa8: {  	s4 =	sshll.u32 s28, $0x1;
	[dreg:$0x2] =	wrdreg s2  }
0xa9: {  	[dreg:$0x3] =	wrdreg s4  }
0xaa: {  	[dreg:$0x4] =	wrdreg $0xC0  }
0xab: {  	_ =	task [dreg:s6], $0x5FFFF  }
0xac: {  	[dreg:$0x1] =	wrdreg $0xFFFFFFFF  }
0xad: {  	[dreg:$0x0] =	wrdreg $0x60  }
0xae: {  	[dreg:$0x2] =	wrdreg s24  }
0xaf: {  	[dreg:$0x3] =	wrdreg $0x0  }
0xb0: {  	[dreg:$0x4] =	wrdreg $0x9  }
0xb1: {  	_ =	task.clear_ibuf [dreg:s6], $0x5FFFF;
	_ =	strace $0x9000004C  }
0xb2: {  	s29 =	simm.s32 $0x9;
	_ =	strace $0x8000004E  }
0xb3: {  	_ =	swait.ge [sflag:s29], $0x1  }
0xb4: {  	[sflag:s29] =	ssyncadd.s32 $0xFFFFFFFF  }
0xb5: {  	_ =	strace $0x9000004E  }
0xb6: {  	_ =	sfence  }
0xb7: {  	s30 =	sld [smem:$0x0];
	_ =	sdelay $0x2  }
0xb8: {  	s31 =	sshll.u32 s1, $0xD;
	s1 =	sshrl.u32 s1, $0x2  }
0xb9: {  	s3 =	sand.u32 $0x4000, s31;
	s1 =	sadd.s32 s1, s30  }
0xba: {  	s0 =	sor.u32 s3, s0;
	s1 =	sshll.u32 s1, $0x11  }
0xbb: {  	s0 =	sor.u32 s1, s0  }
0xbc: {  	s0 =	sadd.s32 $0x8F2B, s0  }
0xbd: {  	[sflag:s0] =	ssyncadd.remote.s32 $0x1  }
0xbe: {  	_ =	sfence.sel $0xFFFF  }
0xbf: {  	[dreg:$0x0] =	wrdreg $0xFFFFFFFF;
	(pc) =	sbr.abs _section_cstart, $3  }
0xc0: {  	[dreg:$0x1] =	wrdreg $0xFFFFFFFF  }
0xc1: {  	_ =	task.clear_ibuf [dreg:s6], $0x2FFFF;
	_ =	strace $0x9FFFFFFF  }
0xc2: {  	(tm) =	ssettm $0x7FFFFFFF  }
0xc3: {  	_ =	shalt  }
tec
execute0_lowered:
.L_overlay_start_1:
0x0: {  	(tag) =	ssettag $0x1  }
0x1: {  	s5 =	rddreg [dreg:$0x0]  }
0x2: {  	s2 =	rddreg [dreg:$0x1]  }
0x3: {  	s0 =	rddreg [dreg:$0x2];
	s3 =	simm.s32 $0x0  }
0x4: {  	s1 =	stileid.u32;
	s6 =	srdreg.scid;
	s13 =	simm.s32 $0x3  }
0x5: {  	s14 =	simm.s32 $0x18720;
	s15 =	simm.s32 $0x18A20;
	s16 =	simm.s32 $0x300  }
0x6: {  	s17 =	simm.s32 $0x18D20;
	s18 =	simm.s32 $0x1BD20;
	s19 =	simm.s32 $0x1C020  }
0x7: {  	s20 =	simm.s32 $0x1;
	s21 =	simm.s32 $0x1C320;
	s22 =	simm.s32 $0x2  }
0x8: {  	s23 =	simm.s32 $0x0;
	[smem:$0x7FF] =	sst s3;
	s4 =	smul.u32 $0x3180, s1  }
0x9: {  	s6 =	sand.u32 $0x1, s6;
	s8 =	smul.u32 $0x18700, s1;
	s11 =	sshll.u32 s1, $0x6  }
0xa: {  	_ =	strace $0x8000004D;
	s7 =	ssub.s32 $0x2, s6;
	s6 =	sshll.u32 s6, $0x1  }
0xb: {  	s11 =	sor.u32 $0x1C03, s11;
	s10 =	sadd.s32 s4, s5;
	s4 =	sadd.s32 $0x34000, s5  }
0xc: {  	s5 =	sadd.s32 $0xF7800, s5;
	s9 =	sshrl.u32 s7, $0x1;
	s12 =	sadd.s32 s8, s2  }
0xd: {  	s9 =	ssub.s32 s7, s9;
	s7 =	sshrl.u32 s8, $0x3;
	s12 =	sshrl.u32 s12, $0x3  }
0xe: {  	s8 =	smax.u32 s9, $0x1;
	s9 =	sadd.s32 $0x2800, s10;
	s10 =	sadd.s32 $0x21FE00, s10  }
.LBB2_1:
0xf: {  	p1 =	por $0x1, $0x1;
	s24 =	simm.s32 $0x0  }
.LBB2_2:
0x10: {  	s24 =	sor.u32 s6, s24  }
0x11: {  	s24 =	smul.u32 $0x30E00, s24;
	_ =	sdelay $0x1  }
0x12: {  	s25 =	sadd.s32 s4, s24  }
0x13: {  	s26 =	sadd.s32 s7, s25  }
0x14: {  	[spmem:s12], [sflag:s11] =	dma.local [hbm:s26], $0x30E0  }
0x15: {  	_ =	swait.ge [sflag:s13], $0x30E0  }
0x16: {  	[sflag:s13] =	ssyncset.done $0x0  }
0x17: {  	[sflag:s13] =	ssyncadd.s32 $0xFFFFCF20  }
0x18: {  	s30 =	sadd.s32 $0x0, s10;
	[bflag:$0x0] =	sbarrier.arrive $0xFFFF  }
0x19: {  	[tilespmem:s14], [sflag:$0x3] =	stream.linear.gather [hbm4b:s30+s3], $0x300, $0x38;
	[tilespmem:$0x1F320] =	vst v63  }
0x1a: {  	_ =	swait.ge [sflag:s13], $0x300  }
0x1b: {  	[sflag:s13] =	ssyncset.done $0x0  }
0x1c: {  	s28 =	sadd.s32 $0x0, s9;
	[sflag:s13] =	ssyncadd.s32 $0xFFFFFD00  }
0x1d: {  	[tilespmem:s15], [sflag:$0x3] =	stream.linear.gather [hbm4b:s28+s3], $0x300, $0x38;
	[tilespmem:$0x1F320] =	vst v63  }
0x1e: {  	_ =	swait.ge [sflag:s13], $0x300  }
0x1f: {  	[sflag:s13] =	ssyncset.done $0x0  }
0x20: {  	[sflag:s13] =	ssyncadd.s32 $0xFFFFFD00  }
0x21: {  	[tilespmem:s17], [sflag:$0x1] =	stream.indirect.gather [hbm4b:s25+s16], $0x10, s14, s16, $0xb8;
	[tilespmem:$0x1F320] =	vst v63  }
0x22: {  	s26 =	sadd.s32 $0x60, s30  }
0x23: {  	[tilespmem:s18], [sflag:$0x3] =	stream.linear.gather [hbm4b:s26+s3], $0x300, $0x38;
	[tilespmem:$0x1F320] =	vst v63  }
0x24: {  	_ =	swait.ge [sflag:s13], $0x300  }
0x25: {  	[sflag:s13] =	ssyncset.done $0x0  }
0x26: {  	s31 =	sadd.s32 $0x60, s28;
	[sflag:s13] =	ssyncadd.s32 $0xFFFFFD00  }
0x27: {  	[tilespmem:s19], [sflag:$0x3] =	stream.linear.gather [hbm4b:s31+s3], $0x300, $0x38;
	[tilespmem:$0x1F320] =	vst v63  }
0x28: {  	_ =	swait.ge [sflag:s13], $0x300  }
0x29: {  	[sflag:s13] =	ssyncset.done $0x0  }
0x2a: {  	[sflag:s13] =	ssyncadd.s32 $0xFFFFFD00  }
0x2b: {  	_ =	swait.ge [sflag:s20], $0x3000  }
0x2c: {  	[sflag:s20] =	ssyncset.done $0x0  }
0x2d: {  	[sflag:s20] =	ssyncadd.s32 $0xFFFFD000  }
0x2e: {  	[tilespmem:s21], [sflag:$0x1] =	stream.indirect.gather [hbm4b:s25+s16], $0x10, s18, s16, $0xb8;
	[tilespmem:$0x1F320] =	vst v63  }
0x2f: {  	_ = 	snop  }
0x30: {  	[spmem:s2] =	stream.indirect.scatter.add.f32 [tilespmem:s17], [sflag:$0x2], $0x10, s15, s16, $0xb8;
	[tilespmem:$0x1F320] =	vst v63  }
0x31: {  	_ =	swait.ge [sflag:s20], $0x3000  }
0x32: {  	[sflag:s20] =	ssyncset.done $0x0  }
0x33: {  	[sflag:s20] =	ssyncadd.s32 $0xFFFFD000  }
0x34: {  	[spmem:s2] =	stream.indirect.scatter.add.f32 [tilespmem:s21], [sflag:$0x2], $0x10, s19, s16, $0xb8;
	[tilespmem:$0x1F320] =	vst v63  }
0x35: {  	_ =	swait.ge [sflag:s22], $0x3000  }
0x36: {  	[sflag:s22] =	ssyncset.done $0x0  }
0x37: {  	[sflag:s22] =	ssyncadd.s32 $0xFFFFD000  }
0x38: {  	p0 =	por p1, p1;
	_ =	swait.ge [sflag:s22], $0x3000  }
0x39: {  	s29 =	simm.s32 $0x180;
	s26 =	simm.s32 $0xC0;
	[sflag:s22] =	ssyncset.done $0x0  }
.LBB2_3:
0x3a: {  	s30 =	sadd.s32 s26, s10  }
0x3b: {  	[sflag:s22] =	ssyncadd.s32 $0xFFFFD000;
	s31 =	smov.u32 s29;
	s28 =	sadd.s32 $0xC0, s29  }
0x3c: {  	[tilespmem:s14], [sflag:$0x3] =	stream.linear.gather [hbm4b:s30+s3], $0x300, $0x38;
	[tilespmem:$0x1F320] =	vst v63  }
0x3d: {  	p1 =	sne.s32 s29, $0x30C0;
	_ =	swait.ge [sflag:s13], $0x300  }
0x3e: {  	[sflag:s13] =	ssyncset.done $0x0  }
0x3f: {  	s29 =	sadd.s32 s26, s9;
	s26 =	smov.u32 s31;
	[sflag:s13] =	ssyncadd.s32 $0xFFFFFD00  }
0x40: {  	[tilespmem:s15], [sflag:$0x3] =	stream.linear.gather [hbm4b:s29+s3], $0x300, $0x38;
	[tilespmem:$0x1F320] =	vst v63  }
0x41: {  	_ =	swait.ge [sflag:s13], $0x300  }
0x42: {  	[sflag:s13] =	ssyncset.done $0x0  }
0x43: {  	[sflag:s13] =	ssyncadd.s32 $0xFFFFFD00  }
0x44: {  	[tilespmem:s17], [sflag:$0x1] =	stream.indirect.gather [hbm4b:s25+s16], $0x10, s14, s16, $0xb8;
	[tilespmem:$0x1F320] =	vst v63  }
0x45: {  	s30 =	sadd.s32 $0x60, s30  }
0x46: {  	[tilespmem:s18], [sflag:$0x3] =	stream.linear.gather [hbm4b:s30+s3], $0x300, $0x38;
	[tilespmem:$0x1F320] =	vst v63  }
0x47: {  	_ =	swait.ge [sflag:s13], $0x300  }
0x48: {  	[sflag:s13] =	ssyncset.done $0x0  }
0x49: {  	s29 =	sadd.s32 $0x60, s29;
	[sflag:s13] =	ssyncadd.s32 $0xFFFFFD00  }
0x4a: {  	[tilespmem:s19], [sflag:$0x3] =	stream.linear.gather [hbm4b:s29+s3], $0x300, $0x38;
	[tilespmem:$0x1F320] =	vst v63  }
0x4b: {  	_ =	swait.ge [sflag:s13], $0x300  }
0x4c: {  	[sflag:s13] =	ssyncset.done $0x0  }
0x4d: {  	[sflag:s13] =	ssyncadd.s32 $0xFFFFFD00  }
0x4e: {  	_ =	swait.ge [sflag:s20], $0x3000  }
0x4f: {  	[sflag:s20] =	ssyncset.done $0x0  }
0x50: {  	[sflag:s20] =	ssyncadd.s32 $0xFFFFD000  }
0x51: {  	[tilespmem:s21], [sflag:$0x1] =	stream.indirect.gather [hbm4b:s25+s16], $0x10, s18, s16, $0xb8;
	[tilespmem:$0x1F320] =	vst v63  }
0x52: {  	_ = 	snop  }
0x53: {  	[spmem:s2] =	stream.indirect.scatter.add.f32 [tilespmem:s17], [sflag:$0x2], $0x10, s15, s16, $0xb8;
	[tilespmem:$0x1F320] =	vst v63  }
0x54: {  	_ =	swait.ge [sflag:s20], $0x3000  }
0x55: {  	[sflag:s20] =	ssyncset.done $0x0  }
0x56: {  	[sflag:s20] =	ssyncadd.s32 $0xFFFFD000  }
0x57: {  	[spmem:s2] =	stream.indirect.scatter.add.f32 [tilespmem:s21], [sflag:$0x2], $0x10, s19, s16, $0xb8;
	[tilespmem:$0x1F320] =	vst v63  }
.Ltmp0:
0x58: {  	_ =	swait.ge [sflag:s22], $0x3000;
	(pc) =	sbr.rel @p1 .LBB2_3-.Ltmp0, $4  }
0x59: {  	[sflag:s22] =	ssyncset.done $0x0  }
0x5a: {  	[sflag:s22] =	ssyncadd.s32 $0xFFFFD000  }
0x5b: {  	_ =	swait.ge [sflag:s22], $0x3000  }
0x5c: {  	s29 =	smov.u32 s28;
	[sflag:s22] =	ssyncset.done $0x0  }
0x5d: {  	s28 =	sadd.s32 s26, s10;
	[sflag:s22] =	ssyncadd.s32 $0xFFFFD000  }
0x5e: {  	[tilespmem:s14], [sflag:$0x3] =	stream.linear.gather [hbm4b:s28+s3], $0x300, $0x38;
	[tilespmem:$0x1F320] =	vst v63  }
0x5f: {  	_ =	swait.ge [sflag:s13], $0x300  }
0x60: {  	[sflag:s13] =	ssyncset.done $0x0  }
0x61: {  	s31 =	sadd.s32 s26, s9;
	[sflag:s13] =	ssyncadd.s32 $0xFFFFFD00  }
0x62: {  	[tilespmem:s15], [sflag:$0x3] =	stream.linear.gather [hbm4b:s31+s3], $0x300, $0x38;
	[tilespmem:$0x1F320] =	vst v63  }
0x63: {  	_ =	swait.ge [sflag:s13], $0x300  }
0x64: {  	[sflag:s13] =	ssyncset.done $0x0  }
0x65: {  	[sflag:s13] =	ssyncadd.s32 $0xFFFFFD00  }
0x66: {  	[tilespmem:s17], [sflag:$0x1] =	stream.indirect.gather [hbm4b:s25+s16], $0x10, s14, s16, $0xb8;
	[tilespmem:$0x1F320] =	vst v63  }
0x67: {  	s28 =	sadd.s32 $0x60, s28  }
0x68: {  	[tilespmem:s18], [sflag:$0x3] =	stream.linear.gather [hbm4b:s28+s3], $0x300, $0x38;
	[tilespmem:$0x1F320] =	vst v63  }
0x69: {  	_ =	swait.ge [sflag:s13], $0x300  }
0x6a: {  	[sflag:s13] =	ssyncset.done $0x0  }
0x6b: {  	s26 =	sadd.s32 $0x60, s31;
	[sflag:s13] =	ssyncadd.s32 $0xFFFFFD00  }
0x6c: {  	[tilespmem:s19], [sflag:$0x3] =	stream.linear.gather [hbm4b:s26+s3], $0x300, $0x38;
	[tilespmem:$0x1F320] =	vst v63  }
0x6d: {  	_ =	swait.ge [sflag:s13], $0x300  }
0x6e: {  	[sflag:s13] =	ssyncset.done $0x0  }
0x6f: {  	[sflag:s13] =	ssyncadd.s32 $0xFFFFFD00  }
0x70: {  	_ =	swait.ge [sflag:s20], $0x3000  }
0x71: {  	[sflag:s20] =	ssyncset.done $0x0  }
0x72: {  	[sflag:s20] =	ssyncadd.s32 $0xFFFFD000  }
0x73: {  	[tilespmem:s21], [sflag:$0x1] =	stream.indirect.gather [hbm4b:s25+s16], $0x10, s18, s16, $0xb8;
	[tilespmem:$0x1F320] =	vst v63  }
0x74: {  	_ = 	snop  }
0x75: {  	[spmem:s2] =	stream.indirect.scatter.add.f32 [tilespmem:s17], [sflag:$0x2], $0x10, s15, s16, $0xb8;
	[tilespmem:$0x1F320] =	vst v63  }
0x76: {  	_ =	swait.ge [sflag:s20], $0x3000  }
0x77: {  	[sflag:s20] =	ssyncset.done $0x0  }
0x78: {  	[sflag:s20] =	ssyncadd.s32 $0xFFFFD000  }
0x79: {  	[spmem:s2] =	stream.indirect.scatter.add.f32 [tilespmem:s21], [sflag:$0x2], $0x10, s19, s16, $0xb8;
	[tilespmem:$0x1F320] =	vst v63  }
0x7a: {  	_ =	swait.ge [sflag:s22], $0x3000  }
0x7b: {  	[sflag:s22] =	ssyncset.done $0x0  }
0x7c: {  	[sflag:s22] =	ssyncadd.s32 $0xFFFFD000  }
0x7d: {  	_ =	swait.ge [sflag:s22], $0x3000  }
0x7e: {  	[sflag:s22] =	ssyncset.done $0x0  }
0x7f: {  	s24 =	sadd.s32 s5, s24;
	[sflag:s22] =	ssyncadd.s32 $0xFFFFD000  }
.Ltmp1:
0x80: {  	s24 =	sadd.s32 s7, s24;
	[bflag:$0x0] =	sbarrier.arrive $0xFFFF;
	(pc) =	sbr.rel @p0 .LBB2_2-.Ltmp1, $4  }
0x81: {  	[hbm:s24], [sflag:s11] =	dma.local [spmem:s12], $0x30E0  }
0x82: {  	_ =	swait.ge [sflag:s13], $0x30E0  }
0x83: {  	[sflag:s13] =	ssyncset.done $0x0  }
0x84: {  	p1 =	por $0x0, $0x0;
	s24 =	simm.s32 $0x1;
	[sflag:s13] =	ssyncadd.s32 $0xFFFFCF20  }
0x85: {  	s23 =	sadd.s32 $0x1, s23  }
0x86: {  	p0 =	sne.s32 s23, s8  }
.Ltmp2:
0x87: {  	_ = 	snop;
	(pc) =	sbr.rel @p0 .LBB2_1-.Ltmp2, $1  }
0x88: {  	_ =	sdelay $0x3  }
0x89: {  	_ =	sfence.sel $0x180000  }
0x8a: {  	[bflag:$0x0] =	sbarrier.arrive $0xFFFF  }
0x8b: {  	p0 =	sne.s32 s1, $0x0;
	_ =	strace $0x9000004D  }
0x8c: {  	s0 =	sadd.s32 @!p0 $0x100000, s0;
	[bflag:$0x2] =	sbarrier.arrive $0xFFFF  }
0x8d: {  	[sflag:s0] =	ssyncadd.tile.s32 @!p0 $0x1;
	_ =	shalt  }
.Lfunc_end2:
_tile_overlayer_lowered:
.L_overlay_start_2:
0x8e: {  	(tag) =	ssettag $0x2  }
0x8f: {  	s0 =	rddreg [dreg:$0x0];
	s2 =	stileid.u32  }
0x90: {  	s1 =	rddreg [dreg:$0x1];
	p0 =	sne.s32 s2, $0x0  }
0x91: {  	s3 =	rddreg [dreg:$0x2];
	[bflag:$0x3] =	sbarrier.arrive $0xFFFF;
	s2 =	simm.s32 @!p0 $0x1C03  }
0x92: {  	[timem:s3], [sflag:s2] =	dma.local @!p0 [hbm:s0], s1  }
0x93: {  	s0 =	simm.s32 @!p0 $0x3  }
0x94: {  	_ =	swait.ge @!p0 [sflag:s0], s1  }
0x95: {  	s1 =	ssub.s32 @!p0 $0x0, s1;
	[sflag:s0] =	ssyncset.done @!p0 $0x0  }
0x96: {  	[sflag:s0] =	ssyncadd.s32 @!p0 s1  }
0x97: {  	[bflag:$0x3] =	sbarrier.arrive $0xFFFF  }
0x98: {  	_ =	shalt  }

// kernel: kernel.19.cloned.1.call-start
scs
__scs_entry_jumppad:
0x0: {  	(pc) =	sbr.rel $0x88, $3  }
0x1: {  	(tag) =	ssettag $0x0;
	lr =	simm.s32 $0x1  }
0x2: {  	[smem:$0x3F96] =	sst lr;
	_ =	strace $0xD0000000  }
0x3: {  	_ = 	snop  }
0x4: {  	_ = 	snop  }
0x5: {  	_ = 	snop  }
0x6: {  	_ = 	snop  }
0x7: {  	_ = 	snop  }
__scs_overlays_trampoline_lowered:
0x8: {  	[smem:$0x3FA5] =	sst s0  }
0x9: {  	[smem:$0x3FA6] =	sst s1  }
0xa: {  	[smem:$0x3FA7] =	sst s2  }
0xb: {  	[smem:$0x3FA8] =	sst s3  }
0xc: {  	[smem:$0x3FA9] =	sst s4  }
0xd: {  	[smem:$0x3FAA] =	sst s5  }
0xe: {  	[smem:$0x3FAB] =	sst s6  }
0xf: {  	[smem:$0x3FAC] =	sst s7  }
0x10: {  	[smem:$0x3FAD] =	sst s8  }
0x11: {  	[smem:$0x3FAE] =	sst s9;
	s0 =	simm.s32 @!p0 $0x0  }
0x12: {  	s1 =	sld [smem:$0x3F94];
	s0 =	simm.s32 @p0 $0x1  }
0x13: {  	[smem:$0x3FAF] =	sst s0;
	s0 =	simm.s32 @!p1 $0x0  }
0x14: {  	s2 =	sld [smem:$0x3F93];
	s0 =	simm.s32 @p1 $0x1  }
0x15: {  	[smem:$0x3FB0] =	sst s0;
	s0 =	simm.s32 @!p2 $0x0  }
0x16: {  	s3 =	sld [smem:$0x3FDB];
	s0 =	simm.s32 @p2 $0x1  }
0x17: {  	s4 =	simm.s32 $0x1BF5;
	[smem:$0x3FB2] =	sst s0  }
0x18: {  	s0 =	sld [smem:$0x3F95];
	_ =	swait.ge [sflag:s4], $0x0  }
0x19: {  	s7 =	sld [smem:$0x3F96]  }
0x1a: {  	s8 =	sadd.s32 $0xFFFFE003, lr  }
0x1b: {  	s9 =	sadd.s32 $0xFFFFFEF7, lr;
	s5 =	simm.s32 $0xFFFFFFFF;
	p2 =	slt.u32 s8, $0xFFFFF086  }
0x1c: {  	p1 =	slt.u32 s9, $0xF7A;
	s5 =	simm.s32 @!p2 $0x0  }
0x1d: {  	s5 =	simm.s32 @p1 $0x1;
	p0 =	seq.s32 s7, s2  }
0x1e: {  	s7 =	smul.u32 @!p0 $0xF7A, s2;
	p2 =	seq.s32 @!p0 s5, $0x0  }
0x1f: {  	s9 =	smul.u32 $0xF7A, s1;
	s8 =	simm.s32 @!p0 $0x1BF5;
	p2 =	por !p2, p0  }
0x20: {  	[sflag:s8] =	ssyncset.s32 @!p0 $0xFFFFF086;
	s6 =	sadd.s32 @!p0 s3, s7;
	s7 =	simm.s32 @!p0 $0x108  }
0x21: {  	s3 =	sadd.s32 s3, s9;
	s6 =	sadd.s32 @!p0 $0x88, s6;
	s7 =	simm.s32 @p2 $0x1082  }
0x22: {  	[simem:s7], [sflag:s8] =	dma.local @!p0 [hbm:s6], $0xF7A  }
0x23: {  	s9 =	sor.u32 $0xD0000000, s2;
	s6 =	simm.s32 $0x108;
	_ =	swait.ge @!p0 [sflag:s8], $0x0  }
0x24: {  	s3 =	sadd.s32 $0x88, s3;
	s6 =	simm.s32 @!p1 $0x1082;
	[sflag:s4] =	ssyncset.s32 $0xFFFFF086  }
0x25: {  	[simem:s6], [sflag:s4] =	dma.local [hbm:s3], $0xF7A  }
0x26: {  	[smem:$0x3F96] =	sst s1;
	(tag) =	ssettag s2;
	_ =	strace s9  }
0x27: {  	s1 =	sld [smem:$0x3FA6]  }
0x28: {  	s2 =	sld [smem:$0x3FA7]  }
0x29: {  	s4 =	sld [smem:$0x3FA9]  }
0x2a: {  	p0 =	seq.s32 s5, $0x0;
	s5 =	sld [smem:$0x3FAA]  }
0x2b: {  	s6 =	sld [smem:$0x3FAB]  }
0x2c: {  	s7 =	sld [smem:$0x3FAC]  }
0x2d: {  	s3 =	simm.s32 $0x108;
	s8 =	sld [smem:$0x3FAD]  }
0x2e: {  	s3 =	simm.s32 @!p0 $0x1082;
	s9 =	sld [smem:$0x3FAE]  }
0x2f: {  	lr =	sadd.s32 s0, s3;
	s0 =	sld [smem:$0x3FA5]  }
0x30: {  	s3 =	sld [smem:$0x3FA8]  }
0x31: {  	[smem:$0x3FB1] =	sst s10  }
0x32: {  	s10 =	sld [smem:$0x3FAF];
	_ =	sdelay $0x3  }
0x33: {  	p0 =	seq.s32 s10, $0x1;
	s10 =	sld [smem:$0x3FB1];
	_ =	sdelay $0x3  }
0x34: {  	[smem:$0x3FB1] =	sst s10  }
0x35: {  	s10 =	sld [smem:$0x3FB0];
	_ =	sdelay $0x3  }
0x36: {  	p1 =	seq.s32 s10, $0x1;
	s10 =	sld [smem:$0x3FB1];
	_ =	sdelay $0x3  }
0x37: {  	[smem:$0x3FB1] =	sst s10  }
0x38: {  	s10 =	sld [smem:$0x3FB2]  }
0x39: {  	_ = 	snop;
	(pc) =	sbr.ind lr, $3  }
0x3a: {  	_ = 	snop  }
0x3b: {  	_ = 	snop  }
0x3c: {  	p2 =	seq.s32 s10, $0x1;
	s10 =	sld [smem:$0x3FB1]  }
0x3d: {  	_ =	shalt  }
0x3e: {  	_ =	shalt  }
0x3f: {  	_ =	shalt  }
0x40: {  	_ =	shalt  }
0x41: {  	_ =	shalt  }
0x42: {  	_ =	shalt  }
0x43: {  	_ =	shalt  }
0x44: {  	_ =	shalt  }
0x45: {  	_ =	shalt  }
0x46: {  	_ =	shalt  }
0x47: {  	_ =	shalt  }
0x48: {  	_ =	shalt  }
0x49: {  	_ =	shalt  }
0x4a: {  	_ =	shalt  }
0x4b: {  	_ =	shalt  }
0x4c: {  	_ =	shalt  }
0x4d: {  	_ =	shalt  }
0x4e: {  	_ =	shalt  }
0x4f: {  	_ =	shalt  }
0x50: {  	_ =	shalt  }
0x51: {  	_ =	shalt  }
0x52: {  	_ =	shalt  }
0x53: {  	_ =	shalt  }
0x54: {  	_ =	shalt  }
0x55: {  	_ =	shalt  }
0x56: {  	_ =	shalt  }
0x57: {  	_ =	shalt  }
0x58: {  	_ =	shalt  }
0x59: {  	_ =	shalt  }
0x5a: {  	_ =	shalt  }
0x5b: {  	_ =	shalt  }
0x5c: {  	_ =	shalt  }
0x5d: {  	_ =	shalt  }
0x5e: {  	_ =	shalt  }
0x5f: {  	_ =	shalt  }
0x60: {  	_ =	shalt  }
0x61: {  	_ =	shalt  }
0x62: {  	_ =	shalt  }
0x63: {  	_ =	shalt  }
0x64: {  	_ =	shalt  }
0x65: {  	_ =	shalt  }
0x66: {  	_ =	shalt  }
0x67: {  	_ =	shalt  }
0x68: {  	_ =	shalt  }
0x69: {  	_ =	shalt  }
0x6a: {  	_ =	shalt  }
0x6b: {  	_ =	shalt  }
0x6c: {  	_ =	shalt  }
0x6d: {  	_ =	shalt  }
0x6e: {  	_ =	shalt  }
0x6f: {  	_ =	shalt  }
0x70: {  	_ =	shalt  }
0x71: {  	_ =	shalt  }
0x72: {  	_ =	shalt  }
0x73: {  	_ =	shalt  }
0x74: {  	_ =	shalt  }
0x75: {  	_ =	shalt  }
0x76: {  	_ =	shalt  }
0x77: {  	_ =	shalt  }
0x78: {  	_ =	shalt  }
0x79: {  	_ =	shalt  }
0x7a: {  	_ =	shalt  }
0x7b: {  	_ =	shalt  }
0x7c: {  	_ =	shalt  }
0x7d: {  	_ =	shalt  }
0x7e: {  	_ =	shalt  }
0x7f: {  	_ =	shalt  }
0x80: {  	_ =	shalt  }
0x81: {  	_ =	shalt  }
0x82: {  	_ =	shalt  }
0x83: {  	_ =	shalt  }
0x84: {  	_ =	shalt  }
0x85: {  	_ =	shalt  }
0x86: {  	_ =	shalt  }
0x87: {  	_ =	shalt  }
.Lfunc_end0:
.L_simem_size_0:
called_computation.3_lowered:
.L_overlay_start_0:
0x88: {  	s2 =	sld [smem:$0x3FD9]  }
0x89: {  	s3 =	sld [smem:$0x3FFE];
	_ =	sdelay $0x1  }
0x8a: {  	s1 =	srdreg.scid  }
0x8b: {  	s0 =	sand.u32 $0x1, s1  }
0x8c: {  	s16 =	sshll.u32 s0, $0xA;
	s2 =	sadd.s32 s3, s2  }
0x8d: {  	s2 =	sadd.s32 s2, s16  }
0x8e: {  	[smem:$0x3FBD] =	sst s2  }
0x8f: {  	_ = 	snop  }
0x90: {  	(tm) =	ssettm $0x1  }
0x91: {  	s17 =	sld [smem:$0x3FFB];
	_ =	sdelay $0x3  }
0x92: {  	_ =	strace s17  }
0x93: {  	s2 =	sld [smem:$0x3FFC];
	_ =	sdelay $0x3  }
0x94: {  	_ =	strace s2  }
0x95: {  	s2 =	sld [smem:$0x3FFD];
	_ =	sdelay $0x3  }
0x96: {  	_ =	strace s2  }
0x97: {  	_ =	strace $0x8FFFFFFF  }
0x98: {  	s18 =	sld [smem:$0x3FDB];
	_ =	sdelay $0x1  }
0x99: {  	s19 =	simm.s32 $_scs_section_size  }
0x9a: {  	s4 =	simm.s32 $_size__tile_overlayer_lowered;
	s5 =	simm.s32 $_tile_overlayer_lowered  }
0x9b: {  	s22 =	simm.s32 $0x1BFF;
	s21 =	sshll.u32 s5, $0x1;
	s2 =	sadd.s32 s19, s18  }
0x9c: {  	s6 =	simm.s32 $0x0;
	s20 =	sshll.u32 s4, $0x1;
	s4 =	sadd.s32 s21, s2  }
0x9d: {  	[timem:s6], [sflag:s22] =	dma.local [hbm:s4], s20  }
0x9e: {  	_ =	swait.ge [sflag:s22], s20  }
0x9f: {  	s3 =	ssub.s32 $0x0, s20;
	[sflag:s22] =	ssyncset.done $0x0  }
0xa0: {  	[sflag:s22] =	ssyncadd.s32 s3;
	_ =	sdelay $0x1  }
0xa1: {  	s23 =	simm.s32 $0x1B8B  }
0xa2: {  	_ =	swait.ge [sflag:s23], $0x1  }
0xa3: {  	[sflag:s23] =	ssyncset.done $0x0  }
0xa4: {  	s25 =	simm.s32 $0x1B8E;
	s24 =	sld [smem:$0x3FFE];
	[sflag:s23] =	ssyncadd.s32 $0xFFFFFFFF  }
0xa5: {  	s26 =	simm.s32 $execute0_lowered;
	[smem:$0x3FD2] =	sst s25  }
0xa6: {  	s4 =	sshll.u32 s26, $0x1;
	_ =	strace $0x8000004F;
	[dreg:$0x1] =	wrdreg $0xFFFFFFFF  }
0xa7: {  	s28 =	simm.s32 $_size_execute0_lowered;
	s2 =	sadd.s32 s2, s4;
	[dreg:$0x0] =	wrdreg $0x0  }
0xa8: {  	s4 =	sshll.u32 s28, $0x1;
	[dreg:$0x2] =	wrdreg s2  }
0xa9: {  	[dreg:$0x3] =	wrdreg s4  }
0xaa: {  	[dreg:$0x4] =	wrdreg $0xC0  }
0xab: {  	_ =	task [dreg:s6], $0x5FFFF  }
0xac: {  	[dreg:$0x1] =	wrdreg $0xFFFFFFFF  }
0xad: {  	[dreg:$0x0] =	wrdreg $0x60  }
0xae: {  	[dreg:$0x2] =	wrdreg s24  }
0xaf: {  	[dreg:$0x3] =	wrdreg $0x0  }
0xb0: {  	[dreg:$0x4] =	wrdreg $0x9  }
0xb1: {  	_ =	task.clear_ibuf [dreg:s6], $0x5FFFF;
	_ =	strace $0x9000004F  }
0xb2: {  	s29 =	simm.s32 $0x9;
	_ =	strace $0x80000051  }
0xb3: {  	_ =	swait.ge [sflag:s29], $0x1  }
0xb4: {  	[sflag:s29] =	ssyncadd.s32 $0xFFFFFFFF  }
0xb5: {  	_ =	strace $0x90000051  }
0xb6: {  	_ =	sfence  }
0xb7: {  	s30 =	sld [smem:$0x0];
	_ =	sdelay $0x2  }
0xb8: {  	s31 =	sshll.u32 s1, $0xD;
	s1 =	sshrl.u32 s1, $0x2  }
0xb9: {  	s3 =	sand.u32 $0x4000, s31;
	s1 =	sadd.s32 s1, s30  }
0xba: {  	s0 =	sor.u32 s3, s0;
	s1 =	sshll.u32 s1, $0x11  }
0xbb: {  	s0 =	sor.u32 s1, s0  }
0xbc: {  	s0 =	sadd.s32 $0x8F2B, s0  }
0xbd: {  	[sflag:s0] =	ssyncadd.remote.s32 $0x1  }
0xbe: {  	_ =	sfence.sel $0xFFFF  }
0xbf: {  	[dreg:$0x0] =	wrdreg $0xFFFFFFFF;
	(pc) =	sbr.abs _section_cstart, $3  }
0xc0: {  	[dreg:$0x1] =	wrdreg $0xFFFFFFFF  }
0xc1: {  	_ =	task.clear_ibuf [dreg:s6], $0x2FFFF;
	_ =	strace $0x9FFFFFFF  }
0xc2: {  	(tm) =	ssettm $0x7FFFFFFF  }
0xc3: {  	_ =	shalt  }
tec
execute0_lowered:
.L_overlay_start_1:
0x0: {  	(tag) =	ssettag $0x1  }
0x1: {  	s5 =	rddreg [dreg:$0x0]  }
0x2: {  	s2 =	rddreg [dreg:$0x1]  }
0x3: {  	s0 =	rddreg [dreg:$0x2];
	s3 =	simm.s32 $0x0  }
0x4: {  	s1 =	stileid.u32;
	s6 =	srdreg.scid;
	s13 =	simm.s32 $0x3  }
0x5: {  	s14 =	simm.s32 $0x18720;
	s15 =	simm.s32 $0x18A20;
	s16 =	simm.s32 $0x300  }
0x6: {  	s17 =	simm.s32 $0x18D20;
	s18 =	simm.s32 $0x1BD20;
	s19 =	simm.s32 $0x1C020  }
0x7: {  	s20 =	simm.s32 $0x1;
	s21 =	simm.s32 $0x1C320;
	s22 =	simm.s32 $0x2  }
0x8: {  	s23 =	simm.s32 $0x0;
	[smem:$0x7FF] =	sst s3;
	s4 =	smul.u32 $0x3180, s1  }
0x9: {  	s6 =	sand.u32 $0x1, s6;
	s8 =	smul.u32 $0x18700, s1;
	s11 =	sshll.u32 s1, $0x6  }
0xa: {  	_ =	strace $0x80000050;
	s7 =	ssub.s32 $0x2, s6;
	s6 =	sshll.u32 s6, $0x1  }
0xb: {  	s11 =	sor.u32 $0x1C03, s11;
	s10 =	sadd.s32 s4, s5;
	s4 =	sadd.s32 $0x34000, s5  }
0xc: {  	s5 =	sadd.s32 $0xF7800, s5;
	s9 =	sshrl.u32 s7, $0x1;
	s12 =	sadd.s32 s8, s2  }
0xd: {  	s9 =	ssub.s32 s7, s9;
	s7 =	sshrl.u32 s8, $0x3;
	s12 =	sshrl.u32 s12, $0x3  }
0xe: {  	s8 =	smax.u32 s9, $0x1;
	s9 =	sadd.s32 $0x2800, s10;
	s10 =	sadd.s32 $0x21FE00, s10  }
.LBB2_1:
0xf: {  	p1 =	por $0x1, $0x1;
	s24 =	simm.s32 $0x0  }
.LBB2_2:
0x10: {  	s24 =	sor.u32 s6, s24  }
0x11: {  	s24 =	smul.u32 $0x30E00, s24;
	_ =	sdelay $0x1  }
0x12: {  	s25 =	sadd.s32 s4, s24  }
0x13: {  	s26 =	sadd.s32 s7, s25  }
0x14: {  	[spmem:s12], [sflag:s11] =	dma.local [hbm:s26], $0x30E0  }
0x15: {  	_ =	swait.ge [sflag:s13], $0x30E0  }
0x16: {  	[sflag:s13] =	ssyncset.done $0x0  }
0x17: {  	[sflag:s13] =	ssyncadd.s32 $0xFFFFCF20  }
0x18: {  	s30 =	sadd.s32 $0x0, s10;
	[bflag:$0x0] =	sbarrier.arrive $0xFFFF  }
0x19: {  	[tilespmem:s14], [sflag:$0x3] =	stream.linear.gather [hbm4b:s30+s3], $0x300, $0x38;
	[tilespmem:$0x1F320] =	vst v63  }
0x1a: {  	_ =	swait.ge [sflag:s13], $0x300  }
0x1b: {  	[sflag:s13] =	ssyncset.done $0x0  }
0x1c: {  	s28 =	sadd.s32 $0x0, s9;
	[sflag:s13] =	ssyncadd.s32 $0xFFFFFD00  }
0x1d: {  	[tilespmem:s15], [sflag:$0x3] =	stream.linear.gather [hbm4b:s28+s3], $0x300, $0x38;
	[tilespmem:$0x1F320] =	vst v63  }
0x1e: {  	_ =	swait.ge [sflag:s13], $0x300  }
0x1f: {  	[sflag:s13] =	ssyncset.done $0x0  }
0x20: {  	[sflag:s13] =	ssyncadd.s32 $0xFFFFFD00  }
0x21: {  	[tilespmem:s17], [sflag:$0x1] =	stream.indirect.gather [hbm4b:s25+s16], $0x10, s14, s16, $0xb8;
	[tilespmem:$0x1F320] =	vst v63  }
0x22: {  	s26 =	sadd.s32 $0x60, s30  }
0x23: {  	[tilespmem:s18], [sflag:$0x3] =	stream.linear.gather [hbm4b:s26+s3], $0x300, $0x38;
	[tilespmem:$0x1F320] =	vst v63  }
0x24: {  	_ =	swait.ge [sflag:s13], $0x300  }
0x25: {  	[sflag:s13] =	ssyncset.done $0x0  }
0x26: {  	s31 =	sadd.s32 $0x60, s28;
	[sflag:s13] =	ssyncadd.s32 $0xFFFFFD00  }
0x27: {  	[tilespmem:s19], [sflag:$0x3] =	stream.linear.gather [hbm4b:s31+s3], $0x300, $0x38;
	[tilespmem:$0x1F320] =	vst v63  }
0x28: {  	_ =	swait.ge [sflag:s13], $0x300  }
0x29: {  	[sflag:s13] =	ssyncset.done $0x0  }
0x2a: {  	[sflag:s13] =	ssyncadd.s32 $0xFFFFFD00  }
0x2b: {  	_ =	swait.ge [sflag:s20], $0x3000  }
0x2c: {  	[sflag:s20] =	ssyncset.done $0x0  }
0x2d: {  	[sflag:s20] =	ssyncadd.s32 $0xFFFFD000  }
0x2e: {  	[tilespmem:s21], [sflag:$0x1] =	stream.indirect.gather [hbm4b:s25+s16], $0x10, s18, s16, $0xb8;
	[tilespmem:$0x1F320] =	vst v63  }
0x2f: {  	_ = 	snop  }
0x30: {  	[spmem:s2] =	stream.indirect.scatter.add.f32 [tilespmem:s17], [sflag:$0x2], $0x10, s15, s16, $0xb8;
	[tilespmem:$0x1F320] =	vst v63  }
0x31: {  	_ =	swait.ge [sflag:s20], $0x3000  }
0x32: {  	[sflag:s20] =	ssyncset.done $0x0  }
0x33: {  	[sflag:s20] =	ssyncadd.s32 $0xFFFFD000  }
0x34: {  	[spmem:s2] =	stream.indirect.scatter.add.f32 [tilespmem:s21], [sflag:$0x2], $0x10, s19, s16, $0xb8;
	[tilespmem:$0x1F320] =	vst v63  }
0x35: {  	_ =	swait.ge [sflag:s22], $0x3000  }
0x36: {  	[sflag:s22] =	ssyncset.done $0x0  }
0x37: {  	[sflag:s22] =	ssyncadd.s32 $0xFFFFD000  }
0x38: {  	p0 =	por p1, p1;
	_ =	swait.ge [sflag:s22], $0x3000  }
0x39: {  	s29 =	simm.s32 $0x180;
	s26 =	simm.s32 $0xC0;
	[sflag:s22] =	ssyncset.done $0x0  }
.LBB2_3:
0x3a: {  	s30 =	sadd.s32 s26, s10  }
0x3b: {  	[sflag:s22] =	ssyncadd.s32 $0xFFFFD000;
	s31 =	smov.u32 s29;
	s28 =	sadd.s32 $0xC0, s29  }
0x3c: {  	[tilespmem:s14], [sflag:$0x3] =	stream.linear.gather [hbm4b:s30+s3], $0x300, $0x38;
	[tilespmem:$0x1F320] =	vst v63  }
0x3d: {  	p1 =	sne.s32 s29, $0x30C0;
	_ =	swait.ge [sflag:s13], $0x300  }
0x3e: {  	[sflag:s13] =	ssyncset.done $0x0  }
0x3f: {  	s29 =	sadd.s32 s26, s9;
	s26 =	smov.u32 s31;
	[sflag:s13] =	ssyncadd.s32 $0xFFFFFD00  }
0x40: {  	[tilespmem:s15], [sflag:$0x3] =	stream.linear.gather [hbm4b:s29+s3], $0x300, $0x38;
	[tilespmem:$0x1F320] =	vst v63  }
0x41: {  	_ =	swait.ge [sflag:s13], $0x300  }
0x42: {  	[sflag:s13] =	ssyncset.done $0x0  }
0x43: {  	[sflag:s13] =	ssyncadd.s32 $0xFFFFFD00  }
0x44: {  	[tilespmem:s17], [sflag:$0x1] =	stream.indirect.gather [hbm4b:s25+s16], $0x10, s14, s16, $0xb8;
	[tilespmem:$0x1F320] =	vst v63  }
0x45: {  	s30 =	sadd.s32 $0x60, s30  }
0x46: {  	[tilespmem:s18], [sflag:$0x3] =	stream.linear.gather [hbm4b:s30+s3], $0x300, $0x38;
	[tilespmem:$0x1F320] =	vst v63  }
0x47: {  	_ =	swait.ge [sflag:s13], $0x300  }
0x48: {  	[sflag:s13] =	ssyncset.done $0x0  }
0x49: {  	s29 =	sadd.s32 $0x60, s29;
	[sflag:s13] =	ssyncadd.s32 $0xFFFFFD00  }
0x4a: {  	[tilespmem:s19], [sflag:$0x3] =	stream.linear.gather [hbm4b:s29+s3], $0x300, $0x38;
	[tilespmem:$0x1F320] =	vst v63  }
0x4b: {  	_ =	swait.ge [sflag:s13], $0x300  }
0x4c: {  	[sflag:s13] =	ssyncset.done $0x0  }
0x4d: {  	[sflag:s13] =	ssyncadd.s32 $0xFFFFFD00  }
0x4e: {  	_ =	swait.ge [sflag:s20], $0x3000  }
0x4f: {  	[sflag:s20] =	ssyncset.done $0x0  }
0x50: {  	[sflag:s20] =	ssyncadd.s32 $0xFFFFD000  }
0x51: {  	[tilespmem:s21], [sflag:$0x1] =	stream.indirect.gather [hbm4b:s25+s16], $0x10, s18, s16, $0xb8;
	[tilespmem:$0x1F320] =	vst v63  }
0x52: {  	_ = 	snop  }
0x53: {  	[spmem:s2] =	stream.indirect.scatter.add.f32 [tilespmem:s17], [sflag:$0x2], $0x10, s15, s16, $0xb8;
	[tilespmem:$0x1F320] =	vst v63  }
0x54: {  	_ =	swait.ge [sflag:s20], $0x3000  }
0x55: {  	[sflag:s20] =	ssyncset.done $0x0  }
0x56: {  	[sflag:s20] =	ssyncadd.s32 $0xFFFFD000  }
0x57: {  	[spmem:s2] =	stream.indirect.scatter.add.f32 [tilespmem:s21], [sflag:$0x2], $0x10, s19, s16, $0xb8;
	[tilespmem:$0x1F320] =	vst v63  }
.Ltmp0:
0x58: {  	_ =	swait.ge [sflag:s22], $0x3000;
	(pc) =	sbr.rel @p1 .LBB2_3-.Ltmp0, $4  }
0x59: {  	[sflag:s22] =	ssyncset.done $0x0  }
0x5a: {  	[sflag:s22] =	ssyncadd.s32 $0xFFFFD000  }
0x5b: {  	_ =	swait.ge [sflag:s22], $0x3000  }
0x5c: {  	s29 =	smov.u32 s28;
	[sflag:s22] =	ssyncset.done $0x0  }
0x5d: {  	s28 =	sadd.s32 s26, s10;
	[sflag:s22] =	ssyncadd.s32 $0xFFFFD000  }
0x5e: {  	[tilespmem:s14], [sflag:$0x3] =	stream.linear.gather [hbm4b:s28+s3], $0x300, $0x38;
	[tilespmem:$0x1F320] =	vst v63  }
0x5f: {  	_ =	swait.ge [sflag:s13], $0x300  }
0x60: {  	[sflag:s13] =	ssyncset.done $0x0  }
0x61: {  	s31 =	sadd.s32 s26, s9;
	[sflag:s13] =	ssyncadd.s32 $0xFFFFFD00  }
0x62: {  	[tilespmem:s15], [sflag:$0x3] =	stream.linear.gather [hbm4b:s31+s3], $0x300, $0x38;
	[tilespmem:$0x1F320] =	vst v63  }
0x63: {  	_ =	swait.ge [sflag:s13], $0x300  }
0x64: {  	[sflag:s13] =	ssyncset.done $0x0  }
0x65: {  	[sflag:s13] =	ssyncadd.s32 $0xFFFFFD00  }
0x66: {  	[tilespmem:s17], [sflag:$0x1] =	stream.indirect.gather [hbm4b:s25+s16], $0x10, s14, s16, $0xb8;
	[tilespmem:$0x1F320] =	vst v63  }
0x67: {  	s28 =	sadd.s32 $0x60, s28  }
0x68: {  	[tilespmem:s18], [sflag:$0x3] =	stream.linear.gather [hbm4b:s28+s3], $0x300, $0x38;
	[tilespmem:$0x1F320] =	vst v63  }
0x69: {  	_ =	swait.ge [sflag:s13], $0x300  }
0x6a: {  	[sflag:s13] =	ssyncset.done $0x0  }
0x6b: {  	s26 =	sadd.s32 $0x60, s31;
	[sflag:s13] =	ssyncadd.s32 $0xFFFFFD00  }
0x6c: {  	[tilespmem:s19], [sflag:$0x3] =	stream.linear.gather [hbm4b:s26+s3], $0x300, $0x38;
	[tilespmem:$0x1F320] =	vst v63  }
0x6d: {  	_ =	swait.ge [sflag:s13], $0x300  }
0x6e: {  	[sflag:s13] =	ssyncset.done $0x0  }
0x6f: {  	[sflag:s13] =	ssyncadd.s32 $0xFFFFFD00  }
0x70: {  	_ =	swait.ge [sflag:s20], $0x3000  }
0x71: {  	[sflag:s20] =	ssyncset.done $0x0  }
0x72: {  	[sflag:s20] =	ssyncadd.s32 $0xFFFFD000  }
0x73: {  	[tilespmem:s21], [sflag:$0x1] =	stream.indirect.gather [hbm4b:s25+s16], $0x10, s18, s16, $0xb8;
	[tilespmem:$0x1F320] =	vst v63  }
0x74: {  	_ = 	snop  }
0x75: {  	[spmem:s2] =	stream.indirect.scatter.add.f32 [tilespmem:s17], [sflag:$0x2], $0x10, s15, s16, $0xb8;
	[tilespmem:$0x1F320] =	vst v63  }
0x76: {  	_ =	swait.ge [sflag:s20], $0x3000  }
0x77: {  	[sflag:s20] =	ssyncset.done $0x0  }
0x78: {  	[sflag:s20] =	ssyncadd.s32 $0xFFFFD000  }
0x79: {  	[spmem:s2] =	stream.indirect.scatter.add.f32 [tilespmem:s21], [sflag:$0x2], $0x10, s19, s16, $0xb8;
	[tilespmem:$0x1F320] =	vst v63  }
0x7a: {  	_ =	swait.ge [sflag:s22], $0x3000  }
0x7b: {  	[sflag:s22] =	ssyncset.done $0x0  }
0x7c: {  	[sflag:s22] =	ssyncadd.s32 $0xFFFFD000  }
0x7d: {  	_ =	swait.ge [sflag:s22], $0x3000  }
0x7e: {  	[sflag:s22] =	ssyncset.done $0x0  }
0x7f: {  	s24 =	sadd.s32 s5, s24;
	[sflag:s22] =	ssyncadd.s32 $0xFFFFD000  }
.Ltmp1:
0x80: {  	s24 =	sadd.s32 s7, s24;
	[bflag:$0x0] =	sbarrier.arrive $0xFFFF;
	(pc) =	sbr.rel @p0 .LBB2_2-.Ltmp1, $4  }
0x81: {  	[hbm:s24], [sflag:s11] =	dma.local [spmem:s12], $0x30E0  }
0x82: {  	_ =	swait.ge [sflag:s13], $0x30E0  }
0x83: {  	[sflag:s13] =	ssyncset.done $0x0  }
0x84: {  	p1 =	por $0x0, $0x0;
	s24 =	simm.s32 $0x1;
	[sflag:s13] =	ssyncadd.s32 $0xFFFFCF20  }
0x85: {  	s23 =	sadd.s32 $0x1, s23  }
0x86: {  	p0 =	sne.s32 s23, s8  }
.Ltmp2:
0x87: {  	_ = 	snop;
	(pc) =	sbr.rel @p0 .LBB2_1-.Ltmp2, $1  }
0x88: {  	_ =	sdelay $0x3  }
0x89: {  	_ =	sfence.sel $0x180000  }
0x8a: {  	[bflag:$0x0] =	sbarrier.arrive $0xFFFF  }
0x8b: {  	p0 =	sne.s32 s1, $0x0;
	_ =	strace $0x90000050  }
0x8c: {  	s0 =	sadd.s32 @!p0 $0x100000, s0;
	[bflag:$0x2] =	sbarrier.arrive $0xFFFF  }
0x8d: {  	[sflag:s0] =	ssyncadd.tile.s32 @!p0 $0x1;
	_ =	shalt  }
.Lfunc_end2:
_tile_overlayer_lowered:
.L_overlay_start_2:
0x8e: {  	(tag) =	ssettag $0x2  }
0x8f: {  	s0 =	rddreg [dreg:$0x0];
	s2 =	stileid.u32  }
0x90: {  	s1 =	rddreg [dreg:$0x1];
	p0 =	sne.s32 s2, $0x0  }
0x91: {  	s3 =	rddreg [dreg:$0x2];
	[bflag:$0x3] =	sbarrier.arrive $0xFFFF;
	s2 =	simm.s32 @!p0 $0x1C03  }
0x92: {  	[timem:s3], [sflag:s2] =	dma.local @!p0 [hbm:s0], s1  }
0x93: {  	s0 =	simm.s32 @!p0 $0x3  }
0x94: {  	_ =	swait.ge @!p0 [sflag:s0], s1  }
0x95: {  	s1 =	ssub.s32 @!p0 $0x0, s1;
	[sflag:s0] =	ssyncset.done @!p0 $0x0  }
0x96: {  	[sflag:s0] =	ssyncadd.s32 @!p0 s1  }
0x97: {  	[bflag:$0x3] =	sbarrier.arrive $0xFFFF  }
0x98: {  	_ =	shalt  }

</sc_bundles>
